<compile_context>
chip_gen: v7x
topology: tpu7x:2x2x1
jax: 0.10.2.dev20260603
libtpu: 0.0.44.dev20260713+nightly
codegen_flags: <defaults>
</compile_context>

<pallas_src>
import functools

import jax
import jax.numpy as jnp
from jax import lax
from jax.experimental import pallas as pl
from jax.experimental.pallas import tpu as pltpu
from jax.experimental.pallas import tpu_sc as plsc

NC = 2
NS = 16
CHUNK = 80


def _pad_nodes(n):
    m = NS * 16
    return (n + m - 1) // m * m


def _sc_mesh():
    return plsc.VectorSubcoreMesh(
        core_axis_name="c", subcore_axis_name="s", num_cores=NC, num_subcores=NS
    )


def _sc_degrees(edge_flat, n_nodes):
    E = edge_flat.shape[0] // 2
    ept = E // NS
    CH = 128
    full = ept // CH
    tail = ept - full * CH
    NP = _pad_nodes(n_nodes)
    rpt = NP // NS

    @functools.partial(
        pl.kernel,
        out_type=jax.ShapeDtypeStruct((NC * NP,), jnp.float32),
        mesh=_sc_mesh(),
        scratch_types=[
            pltpu.VMEM((CH,), jnp.int32),
            pltpu.VMEM((CH,), jnp.int32),
            pltpu.VMEM((CH,), jnp.int32),
            pltpu.VMEM((CH,), jnp.int32),
            pltpu.VMEM((tail,), jnp.int32),
            pltpu.VMEM((CH,), jnp.float32),
            pltpu.VMEM((rpt,), jnp.float32),
            pltpu.VMEM_SHARED((NP,), jnp.float32),
            pltpu.SemaphoreType.DMA,
            pltpu.SemaphoreType.DMA,
            pltpu.SemaphoreType.DMA,
            pltpu.SemaphoreType.DMA,
            pltpu.SemaphoreType.DMA,
            pltpu.SemaphoreType.DMA,
            pltpu.SemaphoreType.DMA,
            pltpu.SemaphoreType.DMA,
        ],
    )
    def deg_kernel(
        edges, out,
        i0, i1, i2, i3, it, ones_v, buf_v, deg_sh,
        sl0, sl1, sl2, sl3, ss0, ss1, ss2, ss3,
    ):
        cid = lax.axis_index("c")
        sid = lax.axis_index("s")
        ebase = cid * E + sid * ept
        ibufs = (i0, i1, i2, i3)
        slods = (sl0, sl1, sl2, sl3)
        sscat = (ss0, ss1, ss2, ss3)

        def start_l(i, b):
            pltpu.async_copy(
                edges.at[pl.ds(ebase + i * CH, CH)], ibufs[b], slods[b]
            )

        for j in range(4):
            start_l(j, j)

        def fill(j, carry):
            ones_v[pl.ds(j * 16, 16)] = jnp.ones((16,), jnp.float32)
            return carry

        lax.fori_loop(0, CH // 16, fill, 0)

        def zbody(j, carry):
            buf_v[pl.ds(j * 16, 16)] = jnp.zeros((16,), jnp.float32)
            return carry

        lax.fori_loop(0, rpt // 16, zbody, 0)
        pltpu.sync_copy(buf_v, deg_sh.at[pl.ds(sid * rpt, rpt)])
        plsc.subcore_barrier()

        def wait_l(b):
            pltpu.make_async_copy(edges.at[pl.ds(0, CH)], ibufs[b], slods[b]).wait()

        def slot(i, b):
            wait_l(b)
            pltpu.sync_copy(ones_v, deg_sh.at[ibufs[b]], add=True)

            @pl.when(i + 4 < full)
            def _():
                start_l(i + 4, b)

        def quad(q, carry):
            i = 4 * q
            slot(i, 0)
            slot(i + 1, 1)
            slot(i + 2, 2)
            slot(i + 3, 3)
            return carry

        lax.fori_loop(0, full // 4, quad, 0)
        if tail:
            pltpu.sync_copy(edges.at[pl.ds(ebase + full * CH, tail)], it)
            pltpu.sync_copy(ones_v.at[pl.ds(0, tail)], deg_sh.at[it], add=True)

        plsc.subcore_barrier()
        pltpu.sync_copy(deg_sh.at[pl.ds(sid * rpt, rpt)], buf_v)
        pltpu.sync_copy(buf_v, out.at[pl.ds(cid * NP + sid * rpt, rpt)])

    assert full % 4 == 0 and tail > 0 and tail % 8 == 0
    return deg_kernel(edge_flat)


def _sc_aggregate(feats, edge_flat):
    n_nodes, D = feats.shape
    E = edge_flat.shape[0] // 2
    epw = E // (NC * NS)
    CH = 128
    full = epw // CH
    tail = epw - full * CH
    NP = _pad_nodes(n_nodes)
    rpt = NP // NS

    @functools.partial(
        pl.kernel,
        out_type=jax.ShapeDtypeStruct((NC, NP, D), jnp.float32),
        mesh=_sc_mesh(),
        scratch_types=[
            pltpu.VMEM((epw,), jnp.int32),
            pltpu.VMEM((CH,), jnp.int32),
            pltpu.VMEM((CH,), jnp.int32),
            pltpu.VMEM((tail,), jnp.int32),
            pltpu.VMEM((CH, D), jnp.float32),
            pltpu.VMEM((CH, D), jnp.float32),
            pltpu.VMEM_SHARED((NP, D), jnp.float32),
            pltpu.SemaphoreType.DMA,
            pltpu.SemaphoreType.DMA,
            pltpu.SemaphoreType.DMA,
            pltpu.SemaphoreType.DMA,
            pltpu.SemaphoreType.DMA,
            pltpu.SemaphoreType.DMA,
        ],
    )
    def agg_kernel(
        feats_h, edges, zeros, out,
        src_v, d0, d1, dt, r0, r1, acc_sh, sg0, sg1, sd0, sd1, sz, sp,
    ):
        cid = lax.axis_index("c")
        sid = lax.axis_index("s")
        wid = cid * NS + sid
        ebase = wid * epw
        cz = pltpu.async_copy(
            zeros.at[pl.ds(sid * rpt, rpt)], acc_sh.at[pl.ds(sid * rpt, rpt)], sz
        )
        cp = pltpu.async_copy(edges.at[pl.ds(ebase, epw)], src_v, sp)
        cz.wait()
        cp.wait()
        plsc.subcore_barrier()

        def start_g(i, r, sem):
            pltpu.async_copy(feats_h.at[src_v.at[pl.ds(i * CH, CH)]], r, sem)

        def wait_g(r, sem):
            pltpu.make_async_copy(feats_h.at[src_v.at[pl.ds(0, CH)]], r, sem).wait()

        def start_d(i, dbuf, sem):
            pltpu.async_copy(edges.at[pl.ds(E + ebase + i * CH, CH)], dbuf, sem)

        def wait_d(dbuf, sem):
            pltpu.make_async_copy(edges.at[pl.ds(E, CH)], dbuf, sem).wait()

        start_g(0, r0, sg0)
        start_d(0, d0, sd0)
        start_g(1, r1, sg1)
        start_d(1, d1, sd1)

        def pair_body(i2, carry):
            i = 2 * i2
            wait_g(r0, sg0)
            wait_d(d0, sd0)
            pltpu.sync_copy(r0, acc_sh.at[d0], add=True)

            @pl.when(i + 2 < full)
            def _():
                start_g(i + 2, r0, sg0)
                start_d(i + 2, d0, sd0)

            wait_g(r1, sg1)
            wait_d(d1, sd1)
            pltpu.sync_copy(r1, acc_sh.at[d1], add=True)

            @pl.when(i + 3 < full)
            def _():
                start_g(i + 3, r1, sg1)
                start_d(i + 3, d1, sd1)

            return carry

        lax.fori_loop(0, full // 2, pair_body, 0)
        if tail:
            tbase = ebase + full * CH
            pltpu.async_copy(
                feats_h.at[src_v.at[pl.ds(full * CH, tail)]],
                r0.at[pl.ds(0, tail)], sg0,
            )
            pltpu.sync_copy(edges.at[pl.ds(E + tbase, tail)], dt)
            pltpu.make_async_copy(
                feats_h.at[src_v.at[pl.ds(0, tail)]], r0.at[pl.ds(0, tail)], sg0
            ).wait()
            pltpu.sync_copy(r0.at[pl.ds(0, tail)], acc_sh.at[dt], add=True)

        plsc.subcore_barrier()
        pltpu.sync_copy(
            acc_sh.at[pl.ds(sid * rpt, rpt)],
            out.at[cid, pl.ds(sid * rpt, rpt)],
        )

    assert full % 2 == 0 and tail % 8 == 0
    zeros = jnp.zeros((NP, D), jnp.float32)
    return agg_kernel(feats, edge_flat, zeros)


_BN = 1000


def _tc_prep(x, deg_src, deg_dst):
    n_nodes, D = x.shape

    def body(x_ref, ds_ref, dd_ref, xs_ref, ns_ref, nd_ref):
        ns = lax.rsqrt(jnp.maximum(ds_ref[...], 1.0))
        nd = lax.rsqrt(jnp.maximum(dd_ref[...], 1.0))
        ns_ref[...] = ns
        nd_ref[...] = nd
        xs_ref[...] = x_ref[...] * ns

    return pl.pallas_call(
        body,
        grid=(n_nodes // _BN,),
        in_specs=[
            pl.BlockSpec((_BN, D), lambda i: (i, 0)),
            pl.BlockSpec((_BN, 1), lambda i: (i, 0)),
            pl.BlockSpec((_BN, 1), lambda i: (i, 0)),
        ],
        out_specs=[
            pl.BlockSpec((_BN, D), lambda i: (i, 0)),
            pl.BlockSpec((_BN, 1), lambda i: (i, 0)),
            pl.BlockSpec((_BN, 1), lambda i: (i, 0)),
        ],
        out_shape=[
            jax.ShapeDtypeStruct((n_nodes, D), jnp.float32),
            jax.ShapeDtypeStruct((n_nodes, 1), jnp.float32),
            jax.ShapeDtypeStruct((n_nodes, 1), jnp.float32),
        ],
    )(x, deg_src, deg_dst)


def _tc_mid(p0, p1, nd1, ns1, W1, b1, W2):
    D = p0.shape[1]
    H1 = W1.shape[1]
    H2 = W2.shape[1]
    n_nodes = nd1.shape[0]

    def body(p0_ref, p1_ref, nd_ref, ns_ref, w1_ref, b1_ref, w2_ref, o_ref):
        scaled = (p0_ref[...] + p1_ref[...]) * nd_ref[...]
        h = jnp.dot(scaled, w1_ref[...], preferred_element_type=jnp.float32)
        h = jnp.maximum(h + b1_ref[...], 0.0)
        o = jnp.dot(h, w2_ref[...], preferred_element_type=jnp.float32)
        o_ref[...] = o * ns_ref[...]

    return pl.pallas_call(
        body,
        grid=(n_nodes // _BN,),
        in_specs=[
            pl.BlockSpec((_BN, D), lambda i: (i, 0)),
            pl.BlockSpec((_BN, D), lambda i: (i, 0)),
            pl.BlockSpec((_BN, 1), lambda i: (i, 0)),
            pl.BlockSpec((_BN, 1), lambda i: (i, 0)),
            pl.BlockSpec((D, H1), lambda i: (0, 0)),
            pl.BlockSpec((1, H1), lambda i: (0, 0)),
            pl.BlockSpec((H1, H2), lambda i: (0, 0)),
        ],
        out_specs=pl.BlockSpec((_BN, H2), lambda i: (i, 0)),
        out_shape=jax.ShapeDtypeStruct((n_nodes, H2), jnp.float32),
    )(p0, p1, nd1, ns1, W1, b1.reshape(1, H1), W2)


def _tc_final(q0, q1, nd1, b2):
    H2 = q0.shape[1]
    n_nodes = nd1.shape[0]

    def body(q0_ref, q1_ref, nd_ref, b2_ref, o_ref):
        agg = (q0_ref[...] + q1_ref[...]) * nd_ref[...]
        o_ref[...] = agg + b2_ref[...]

    return pl.pallas_call(
        body,
        grid=(n_nodes // _BN,),
        in_specs=[
            pl.BlockSpec((_BN, H2), lambda i: (i, 0)),
            pl.BlockSpec((_BN, H2), lambda i: (i, 0)),
            pl.BlockSpec((_BN, 1), lambda i: (i, 0)),
            pl.BlockSpec((1, H2), lambda i: (0, 0)),
        ],
        out_specs=pl.BlockSpec((_BN, H2), lambda i: (i, 0)),
        out_shape=jax.ShapeDtypeStruct((n_nodes, H2), jnp.float32),
    )(q0, q1, nd1, b2.reshape(1, H2))


def kernel(x, edge_index, W1, b1, W2, b2):
    n = x.shape[0]
    NP = _pad_nodes(n)
    edge_flat = edge_index.reshape(-1)
    deg = _sc_degrees(edge_flat, n)
    deg_src = deg[0:n].reshape(n, 1)
    deg_dst = deg[NP:NP + n].reshape(n, 1)
    xs, ns1, nd1 = _tc_prep(x, deg_src, deg_dst)
    p = _sc_aggregate(xs, edge_flat)
    hs = _tc_mid(p[0], p[1], nd1, ns1, W1, b1, W2)
    q = _sc_aggregate(hs, edge_flat)
    return _tc_final(q[0], q[1], nd1, b2)

# --- scband reference (transcript-rebuilt; emitter-appended) ---
"""Pipeline reference for scband-encoder-59785944760620 (READ-ONLY COPY).

The authoritative reference and input builder live on the scoring server;
editing this copy changes nothing except your own understanding.
"""

import jax, jax.numpy as jnp
import numpy as np

N = 10000
E = 320000
D_IN = 128
H1 = 512
H2 = 128


def setup_inputs(seed: int = 0) -> dict:
    key = jax.random.key(seed)
    k1, k2, k3, k4 = jax.random.split(key, 4)
    x = jax.random.normal(k1, (N, D_IN), dtype=jnp.float32)
    edge_index = jax.random.randint(k2, (2, E), 0, N, dtype=jnp.int32)
    W1 = jax.random.normal(k3, (D_IN, H1), dtype=jnp.float32) * (1.0 / np.sqrt(D_IN))
    b1 = jnp.zeros((H1,), dtype=jnp.float32)
    W2 = jax.random.normal(k4, (H1, H2), dtype=jnp.float32) * (1.0 / np.sqrt(H1))
    b2 = jnp.zeros((H2,), dtype=jnp.float32)
    return {"x": x, "edge_index": edge_index, "W1": W1, "b1": b1, "W2": W2, "b2": b2}


def _gcn_layer(x, edge_index, W, b, act):
    # GCN layer: out = act(D^{-1/2} A D^{-1/2} (X W) + b)
    src = edge_index[0]
    dst = edge_index[1]
    ones = jnp.ones((E,), dtype=x.dtype)
    out_deg = jnp.zeros((N,), dtype=x.dtype).at[src].add(ones)
    in_deg = jnp.zeros((N,), dtype=x.dtype).at[dst].add(ones)
    norm_src = jax.lax.rsqrt(jnp.clip(out_deg, 1.0, None))
    norm_dst = jax.lax.rsqrt(jnp.clip(in_deg, 1.0, None))
    xw = x @ W
    msg = jnp.take(xw, src, axis=0) * norm_src[src][:, None]
    agg = jnp.zeros((N, xw.shape[1]), dtype=x.dtype).at[dst].add(msg)
    out = agg * norm_dst[:, None] + b
    return act(out)


def reference(x, edge_index, W1, b1, W2, b2):
    h = _gcn_layer(x, edge_index, W1, b1, jax.nn.relu)
    mean = _gcn_layer(h, edge_index, W2, b2, lambda t: t)
    return mean

if __name__ == "__main__":
    import jax
    _d = setup_inputs()
    print(jax.jit(kernel)(*tuple(_d.values())))

</pallas_src>

<mosaic_0001>
#map = affine_map<(d0, d1) -> (0, 0)>
#map1 = affine_map<(d0, d1) -> (0)>
#map2 = affine_map<(d0, d1) -> (0, 0, 0)>
module attributes {stable_mosaic.version = 14 : i64} {
  func.func @agg_kernel(%arg0: i32, %arg1: i32, %arg2: memref<10000x128xf32, #tpu.memory_space<hbm>>, %arg3: memref<640000xi32, #tpu.memory_space<hbm>>, %arg4: memref<10240x128xf32, #tpu.memory_space<hbm>>, %arg5: memref<2x10240x128xf32, #tpu.memory_space<hbm>>, %arg6: memref<10000xi32, #tpu.memory_space<vmem>>, %arg7: memref<128xi32, #tpu.memory_space<vmem>>, %arg8: memref<128xi32, #tpu.memory_space<vmem>>, %arg9: memref<16xi32, #tpu.memory_space<vmem>>, %arg10: memref<128x128xf32, #tpu.memory_space<vmem>>, %arg11: memref<128x128xf32, #tpu.memory_space<vmem>>, %arg12: memref<10240x128xf32, #tpu.memory_space<vmem_shared>>, %arg13: memref<!tpu.dma_semaphore, #tpu.memory_space<semaphore_mem>>, %arg14: memref<!tpu.dma_semaphore, #tpu.memory_space<semaphore_mem>>, %arg15: memref<!tpu.dma_semaphore, #tpu.memory_space<semaphore_mem>>, %arg16: memref<!tpu.dma_semaphore, #tpu.memory_space<semaphore_mem>>, %arg17: memref<!tpu.dma_semaphore, #tpu.memory_space<semaphore_mem>>, %arg18: memref<!tpu.dma_semaphore, #tpu.memory_space<semaphore_mem>>) attributes {dimension_semantics = [#tpu.dimension_semantics<core_parallel>, #tpu.dimension_semantics<subcore_parallel>], iteration_bounds = array<i64: 2, 16>, scalar_prefetch = 0 : i64, scratch_operands = 13 : i64, tpu.core_type = #tpu.core_type<sc_vector_subcore>, window_params = [{transform_indices = #map}, {transform_indices = #map1}, {transform_indices = #map}, {transform_indices = #map2}]} {
    %mul3A = arith.constant 16 : i32
    %mul3A_0 = arith.muli %arg0, %mul3A : i32
    %add3A = arith.addi %mul3A_0, %arg1 : i32
    %mul3A_1 = arith.constant 10000 : i32
    %mul3A_2 = arith.muli %add3A, %mul3A_1 : i32
    %mul3A_3 = arith.constant 640 : i32
    %mul3A_4 = arith.muli %arg1, %mul3A_3 : i32
    %mul3A_5 = arith.constant 640 : i32
    %mul3A_6 = arith.muli %arg1, %mul3A_5 : i32
    %dma_start3A = arith.constant 0 : i32
    %dma_start3A_7 = tpu.memref_slice %arg12[%mul3A_6, %dma_start3A] : memref<10240x128xf32, #tpu.memory_space<vmem_shared>> -> memref<640x128xf32, #tpu.memory_space<vmem_shared>>
    %dma_start3A_8 = arith.constant 0 : i32
    %dma_start3A_9 = tpu.memref_slice %arg4[%mul3A_4, %dma_start3A_8] : memref<10240x128xf32, #tpu.memory_space<hbm>> -> memref<640x128xf32, #tpu.memory_space<hbm>>
    tpu.enqueue_dma source(%dma_start3A_9 : memref<640x128xf32, #tpu.memory_space<hbm>>) target(%dma_start3A_7 : memref<640x128xf32, #tpu.memory_space<vmem_shared>>) target_semaphore(%arg17 : memref<!tpu.dma_semaphore, #tpu.memory_space<semaphore_mem>>)
    %dma_start3A_10 = tpu.memref_slice %arg3[%mul3A_2] : memref<640000xi32, #tpu.memory_space<hbm>> -> memref<10000xi32, #tpu.memory_space<hbm>>
    %dma_start3A_11 = tpu.memref_slice %arg3[%mul3A_2] : memref<640000xi32, #tpu.memory_space<hbm>> -> memref<10000xi32, #tpu.memory_space<hbm>>
    tpu.enqueue_dma source(%dma_start3A_11 : memref<10000xi32, #tpu.memory_space<hbm>>) target(%arg6 : memref<10000xi32, #tpu.memory_space<vmem>>) target_semaphore(%arg18 : memref<!tpu.dma_semaphore, #tpu.memory_space<semaphore_mem>>)
    %dma_wait3A = arith.constant 0 : i32
    %dma_wait3A_12 = tpu.memref_slice %arg12[%mul3A_6, %dma_wait3A] : memref<10240x128xf32, #tpu.memory_space<vmem_shared>> -> memref<640x128xf32, #tpu.memory_space<vmem_shared>>
    %dma_wait3A_13 = arith.constant 0 : i32
    %dma_wait3A_14 = tpu.memref_slice %arg4[%mul3A_4, %dma_wait3A_13] : memref<10240x128xf32, #tpu.memory_space<hbm>> -> memref<640x128xf32, #tpu.memory_space<hbm>>
    tpu.wait_dma2 semaphore(%arg17 : memref<!tpu.dma_semaphore, #tpu.memory_space<semaphore_mem>>) src(%dma_wait3A_14 : memref<640x128xf32, #tpu.memory_space<hbm>>) dst(%dma_wait3A_12 : memref<640x128xf32, #tpu.memory_space<vmem_shared>>)
    %dma_wait3A_15 = tpu.memref_slice %arg3[%mul3A_2] : memref<640000xi32, #tpu.memory_space<hbm>> -> memref<10000xi32, #tpu.memory_space<hbm>>
    %dma_wait3A_16 = tpu.memref_slice %arg3[%mul3A_2] : memref<640000xi32, #tpu.memory_space<hbm>> -> memref<10000xi32, #tpu.memory_space<hbm>>
    tpu.wait_dma2 semaphore(%arg18 : memref<!tpu.dma_semaphore, #tpu.memory_space<semaphore_mem>>) src(%dma_wait3A_16 : memref<10000xi32, #tpu.memory_space<hbm>>) dst(%arg6 : memref<10000xi32, #tpu.memory_space<vmem>>)
    %barrier3A = arith.constant 0 : index
    tpu.barrier barrier_id(%barrier3A)
    %dma_start3A_17 = arith.constant 0 : i32
    %dma_start3A_18 = tpu.memref_slice %arg6[%dma_start3A_17] : memref<10000xi32, #tpu.memory_space<vmem>> -> memref<128xi32, #tpu.memory_space<vmem>>
    %dma_start3A_19 = arith.constant 0 : i32
    %dma_start3A_20 = arith.constant 0 : i32
    %dma_start3A_21 = tpu.memref_slice %arg2[%dma_start3A_19, %dma_start3A_20] : memref<10000x128xf32, #tpu.memory_space<hbm>> -> memref<10000x128xf32, #tpu.memory_space<hbm>>
    tpu.enqueue_indirect_dma source(%dma_start3A_21 : memref<10000x128xf32, #tpu.memory_space<hbm>>) target(%arg10 : memref<128x128xf32, #tpu.memory_space<vmem>>) offsets(%dma_start3A_18 : memref<128xi32, #tpu.memory_space<vmem>>) semaphore(%arg13 : memref<!tpu.dma_semaphore, #tpu.memory_space<semaphore_mem>>)
    %add3A_22 = arith.constant 320000 : i32
    %add3A_23 = arith.addi %add3A_22, %mul3A_2 : i32
    %add3A_24 = arith.constant 0 : i32
    %add3A_25 = arith.addi %add3A_23, %add3A_24 : i32
    %dma_start3A_26 = tpu.memref_slice %arg3[%add3A_25] : memref<640000xi32, #tpu.memory_space<hbm>> -> memref<128xi32, #tpu.memory_space<hbm>>
    %dma_start3A_27 = tpu.memref_slice %arg3[%add3A_25] : memref<640000xi32, #tpu.memory_space<hbm>> -> memref<128xi32, #tpu.memory_space<hbm>>
    tpu.enqueue_dma source(%dma_start3A_27 : memref<128xi32, #tpu.memory_space<hbm>>) target(%arg7 : memref<128xi32, #tpu.memory_space<vmem>>) target_semaphore(%arg15 : memref<!tpu.dma_semaphore, #tpu.memory_space<semaphore_mem>>)
    %dma_start3A_28 = arith.constant 128 : i32
    %dma_start3A_29 = tpu.memref_slice %arg6[%dma_start3A_28] : memref<10000xi32, #tpu.memory_space<vmem>> -> memref<128xi32, #tpu.memory_space<vmem>>
    %dma_start3A_30 = arith.constant 0 : i32
    %dma_start3A_31 = arith.constant 0 : i32
    %dma_start3A_32 = tpu.memref_slice %arg2[%dma_start3A_30, %dma_start3A_31] : memref<10000x128xf32, #tpu.memory_space<hbm>> -> memref<10000x128xf32, #tpu.memory_space<hbm>>
    tpu.enqueue_indirect_dma source(%dma_start3A_32 : memref<10000x128xf32, #tpu.memory_space<hbm>>) target(%arg11 : memref<128x128xf32, #tpu.memory_space<vmem>>) offsets(%dma_start3A_29 : memref<128xi32, #tpu.memory_space<vmem>>) semaphore(%arg14 : memref<!tpu.dma_semaphore, #tpu.memory_space<semaphore_mem>>)
    %add3A_33 = arith.constant 320000 : i32
    %add3A_34 = arith.addi %add3A_33, %mul3A_2 : i32
    %add3A_35 = arith.constant 128 : i32
    %add3A_36 = arith.addi %add3A_34, %add3A_35 : i32
    %dma_start3A_37 = tpu.memref_slice %arg3[%add3A_36] : memref<640000xi32, #tpu.memory_space<hbm>> -> memref<128xi32, #tpu.memory_space<hbm>>
    %dma_start3A_38 = tpu.memref_slice %arg3[%add3A_36] : memref<640000xi32, #tpu.memory_space<hbm>> -> memref<128xi32, #tpu.memory_space<hbm>>
    tpu.enqueue_dma source(%dma_start3A_38 : memref<128xi32, #tpu.memory_space<hbm>>) target(%arg8 : memref<128xi32, #tpu.memory_space<vmem>>) target_semaphore(%arg16 : memref<!tpu.dma_semaphore, #tpu.memory_space<semaphore_mem>>)
    %scan3A = arith.constant 0 : i32
    %scan3A_39 = arith.constant 0 : i32
    %scan3A_40 = arith.constant 39 : i32
    %scan3A_41 = arith.addi %scan3A_39, %scan3A_40 : i32
    %scan3A_42 = arith.constant 1 : i32
    scf.for %scan3A_69 = %scan3A_39 to %scan3A_41 step %scan3A_42  : i32 {
      %mul3A_70 = arith.constant 2 : i32
      %mul3A_71 = arith.muli %mul3A_70, %scan3A_69 : i32
      %dma_wait3A_72 = arith.constant 0 : i32
      %dma_wait3A_73 = tpu.memref_slice %arg6[%dma_wait3A_72] : memref<10000xi32, #tpu.memory_space<vmem>> -> memref<128xi32, #tpu.memory_space<vmem>>
      %dma_wait3A_74 = arith.constant 0 : i32
      %dma_wait3A_75 = arith.constant 0 : i32
      %dma_wait3A_76 = tpu.memref_slice %arg2[%dma_wait3A_74, %dma_wait3A_75] : memref<10000x128xf32, #tpu.memory_space<hbm>> -> memref<10000x128xf32, #tpu.memory_space<hbm>>
      tpu.wait_indirect_dma semaphore(%arg13 : memref<!tpu.dma_semaphore, #tpu.memory_space<semaphore_mem>>) src(%dma_wait3A_76 : memref<10000x128xf32, #tpu.memory_space<hbm>>) dst(%arg10 : memref<128x128xf32, #tpu.memory_space<vmem>>)
      %dma_wait3A_77 = arith.constant 320000 : i32
      %dma_wait3A_78 = tpu.memref_slice %arg3[%dma_wait3A_77] : memref<640000xi32, #tpu.memory_space<hbm>> -> memref<128xi32, #tpu.memory_space<hbm>>
      %dma_wait3A_79 = arith.constant 320000 : i32
      %dma_wait3A_80 = tpu.memref_slice %arg3[%dma_wait3A_79] : memref<640000xi32, #tpu.memory_space<hbm>> -> memref<128xi32, #tpu.memory_space<hbm>>
      tpu.wait_dma2 semaphore(%arg15 : memref<!tpu.dma_semaphore, #tpu.memory_space<semaphore_mem>>) src(%dma_wait3A_80 : memref<128xi32, #tpu.memory_space<hbm>>) dst(%arg7 : memref<128xi32, #tpu.memory_space<vmem>>)
      "tpu.region"() ({
        %run_scoped3A = tpu.sem_alloc : memref<!tpu.dma_semaphore, #tpu.memory_space<semaphore_mem>>
        %dma_start3A_101 = arith.constant 0 : i32
        %dma_start3A_102 = arith.constant 0 : i32
        %dma_start3A_103 = tpu.memref_slice %arg12[%dma_start3A_101, %dma_start3A_102] : memref<10240x128xf32, #tpu.memory_space<vmem_shared>> -> memref<10240x128xf32, #tpu.memory_space<vmem_shared>>
        tpu.enqueue_indirect_dma source(%arg10 : memref<128x128xf32, #tpu.memory_space<vmem>>) target(%dma_start3A_103 : memref<10240x128xf32, #tpu.memory_space<vmem_shared>>) offsets(%arg7 : memref<128xi32, #tpu.memory_space<vmem>>) semaphore(%run_scoped3A : memref<!tpu.dma_semaphore, #tpu.memory_space<semaphore_mem>>) {add = true}
        %dma_wait3A_104 = arith.constant 0 : i32
        %dma_wait3A_105 = arith.constant 0 : i32
        %dma_wait3A_106 = tpu.memref_slice %arg12[%dma_wait3A_104, %dma_wait3A_105] : memref<10240x128xf32, #tpu.memory_space<vmem_shared>> -> memref<10240x128xf32, #tpu.memory_space<vmem_shared>>
        tpu.wait_indirect_dma semaphore(%run_scoped3A : memref<!tpu.dma_semaphore, #tpu.memory_space<semaphore_mem>>) src(%arg10 : memref<128x128xf32, #tpu.memory_space<vmem>>) dst(%dma_wait3A_106 : memref<10240x128xf32, #tpu.memory_space<vmem_shared>>)
        tpu.yield
      }) : () -> ()
      %add3A_81 = arith.constant 2 : i32
      %add3A_82 = arith.addi %mul3A_71, %add3A_81 : i32
      %lt3A = arith.constant 78 : i32
      %lt3A_83 = arith.cmpi slt, %add3A_82, %lt3A : i32
      %convert_element_type3A = arith.extui %lt3A_83 : i1 to i32
      %cond3A = arith.constant 0 : i32
      %cond3A_84 = arith.cmpi ne, %convert_element_type3A, %cond3A : i32
      scf.if %cond3A_84 {
        %add3A_101 = arith.constant 2 : i32
        %add3A_102 = arith.addi %mul3A_71, %add3A_101 : i32
        %mul3A_103 = arith.constant 128 : i32
        %mul3A_104 = arith.muli %add3A_102, %mul3A_103 : i32
        %dma_start3A_105 = tpu.memref_slice %arg6[%mul3A_104] : memref<10000xi32, #tpu.memory_space<vmem>> -> memref<128xi32, #tpu.memory_space<vmem>>
        %dma_start3A_106 = arith.constant 0 : i32
        %dma_start3A_107 = arith.constant 0 : i32
        %dma_start3A_108 = tpu.memref_slice %arg2[%dma_start3A_106, %dma_start3A_107] : memref<10000x128xf32, #tpu.memory_space<hbm>> -> memref<10000x128xf32, #tpu.memory_space<hbm>>
        tpu.enqueue_indirect_dma source(%dma_start3A_108 : memref<10000x128xf32, #tpu.memory_space<hbm>>) target(%arg10 : memref<128x128xf32, #tpu.memory_space<vmem>>) offsets(%dma_start3A_105 : memref<128xi32, #tpu.memory_space<vmem>>) semaphore(%arg13 : memref<!tpu.dma_semaphore, #tpu.memory_space<semaphore_mem>>)
        %add3A_109 = arith.constant 2 : i32
        %add3A_110 = arith.addi %mul3A_71, %add3A_109 : i32
        %add3A_111 = arith.constant 320000 : i32
        %add3A_112 = arith.addi %add3A_111, %mul3A_2 : i32
        %mul3A_113 = arith.constant 128 : i32
        %mul3A_114 = arith.muli %add3A_110, %mul3A_113 : i32
        %add3A_115 = arith.addi %add3A_112, %mul3A_114 : i32
        %dma_start3A_116 = tpu.memref_slice %arg3[%add3A_115] : memref<640000xi32, #tpu.memory_space<hbm>> -> memref<128xi32, #tpu.memory_space<hbm>>
        %dma_start3A_117 = tpu.memref_slice %arg3[%add3A_115] : memref<640000xi32, #tpu.memory_space<hbm>> -> memref<128xi32, #tpu.memory_space<hbm>>
        tpu.enqueue_dma source(%dma_start3A_117 : memref<128xi32, #tpu.memory_space<hbm>>) target(%arg7 : memref<128xi32, #tpu.memory_space<vmem>>) target_semaphore(%arg15 : memref<!tpu.dma_semaphore, #tpu.memory_space<semaphore_mem>>)
      } else {
      }
      %dma_wait3A_85 = arith.constant 0 : i32
      %dma_wait3A_86 = tpu.memref_slice %arg6[%dma_wait3A_85] : memref<10000xi32, #tpu.memory_space<vmem>> -> memref<128xi32, #tpu.memory_space<vmem>>
      %dma_wait3A_87 = arith.constant 0 : i32
      %dma_wait3A_88 = arith.constant 0 : i32
      %dma_wait3A_89 = tpu.memref_slice %arg2[%dma_wait3A_87, %dma_wait3A_88] : memref<10000x128xf32, #tpu.memory_space<hbm>> -> memref<10000x128xf32, #tpu.memory_space<hbm>>
      tpu.wait_indirect_dma semaphore(%arg14 : memref<!tpu.dma_semaphore, #tpu.memory_space<semaphore_mem>>) src(%dma_wait3A_89 : memref<10000x128xf32, #tpu.memory_space<hbm>>) dst(%arg11 : memref<128x128xf32, #tpu.memory_space<vmem>>)
      %dma_wait3A_90 = arith.constant 320000 : i32
      %dma_wait3A_91 = tpu.memref_slice %arg3[%dma_wait3A_90] : memref<640000xi32, #tpu.memory_space<hbm>> -> memref<128xi32, #tpu.memory_space<hbm>>
      %dma_wait3A_92 = arith.constant 320000 : i32
      %dma_wait3A_93 = tpu.memref_slice %arg3[%dma_wait3A_92] : memref<640000xi32, #tpu.memory_space<hbm>> -> memref<128xi32, #tpu.memory_space<hbm>>
      tpu.wait_dma2 semaphore(%arg16 : memref<!tpu.dma_semaphore, #tpu.memory_space<semaphore_mem>>) src(%dma_wait3A_93 : memref<128xi32, #tpu.memory_space<hbm>>) dst(%arg8 : memref<128xi32, #tpu.memory_space<vmem>>)
      "tpu.region"() ({
        %run_scoped3A = tpu.sem_alloc : memref<!tpu.dma_semaphore, #tpu.memory_space<semaphore_mem>>
        %dma_start3A_101 = arith.constant 0 : i32
        %dma_start3A_102 = arith.constant 0 : i32
        %dma_start3A_103 = tpu.memref_slice %arg12[%dma_start3A_101, %dma_start3A_102] : memref<10240x128xf32, #tpu.memory_space<vmem_shared>> -> memref<10240x128xf32, #tpu.memory_space<vmem_shared>>
        tpu.enqueue_indirect_dma source(%arg11 : memref<128x128xf32, #tpu.memory_space<vmem>>) target(%dma_start3A_103 : memref<10240x128xf32, #tpu.memory_space<vmem_shared>>) offsets(%arg8 : memref<128xi32, #tpu.memory_space<vmem>>) semaphore(%run_scoped3A : memref<!tpu.dma_semaphore, #tpu.memory_space<semaphore_mem>>) {add = true}
        %dma_wait3A_104 = arith.constant 0 : i32
        %dma_wait3A_105 = arith.constant 0 : i32
        %dma_wait3A_106 = tpu.memref_slice %arg12[%dma_wait3A_104, %dma_wait3A_105] : memref<10240x128xf32, #tpu.memory_space<vmem_shared>> -> memref<10240x128xf32, #tpu.memory_space<vmem_shared>>
        tpu.wait_indirect_dma semaphore(%run_scoped3A : memref<!tpu.dma_semaphore, #tpu.memory_space<semaphore_mem>>) src(%arg11 : memref<128x128xf32, #tpu.memory_space<vmem>>) dst(%dma_wait3A_106 : memref<10240x128xf32, #tpu.memory_space<vmem_shared>>)
        tpu.yield
      }) : () -> ()
      %add3A_94 = arith.constant 3 : i32
      %add3A_95 = arith.addi %mul3A_71, %add3A_94 : i32
      %lt3A_96 = arith.constant 78 : i32
      %lt3A_97 = arith.cmpi slt, %add3A_95, %lt3A_96 : i32
      %convert_element_type3A_98 = arith.extui %lt3A_97 : i1 to i32
      %cond3A_99 = arith.constant 0 : i32
      %cond3A_100 = arith.cmpi ne, %convert_element_type3A_98, %cond3A_99 : i32
      scf.if %cond3A_100 {
        %add3A_101 = arith.constant 3 : i32
        %add3A_102 = arith.addi %mul3A_71, %add3A_101 : i32
        %mul3A_103 = arith.constant 128 : i32
        %mul3A_104 = arith.muli %add3A_102, %mul3A_103 : i32
        %dma_start3A_105 = tpu.memref_slice %arg6[%mul3A_104] : memref<10000xi32, #tpu.memory_space<vmem>> -> memref<128xi32, #tpu.memory_space<vmem>>
        %dma_start3A_106 = arith.constant 0 : i32
        %dma_start3A_107 = arith.constant 0 : i32
        %dma_start3A_108 = tpu.memref_slice %arg2[%dma_start3A_106, %dma_start3A_107] : memref<10000x128xf32, #tpu.memory_space<hbm>> -> memref<10000x128xf32, #tpu.memory_space<hbm>>
        tpu.enqueue_indirect_dma source(%dma_start3A_108 : memref<10000x128xf32, #tpu.memory_space<hbm>>) target(%arg11 : memref<128x128xf32, #tpu.memory_space<vmem>>) offsets(%dma_start3A_105 : memref<128xi32, #tpu.memory_space<vmem>>) semaphore(%arg14 : memref<!tpu.dma_semaphore, #tpu.memory_space<semaphore_mem>>)
        %add3A_109 = arith.constant 3 : i32
        %add3A_110 = arith.addi %mul3A_71, %add3A_109 : i32
        %add3A_111 = arith.constant 320000 : i32
        %add3A_112 = arith.addi %add3A_111, %mul3A_2 : i32
        %mul3A_113 = arith.constant 128 : i32
        %mul3A_114 = arith.muli %add3A_110, %mul3A_113 : i32
        %add3A_115 = arith.addi %add3A_112, %mul3A_114 : i32
        %dma_start3A_116 = tpu.memref_slice %arg3[%add3A_115] : memref<640000xi32, #tpu.memory_space<hbm>> -> memref<128xi32, #tpu.memory_space<hbm>>
        %dma_start3A_117 = tpu.memref_slice %arg3[%add3A_115] : memref<640000xi32, #tpu.memory_space<hbm>> -> memref<128xi32, #tpu.memory_space<hbm>>
        tpu.enqueue_dma source(%dma_start3A_117 : memref<128xi32, #tpu.memory_space<hbm>>) target(%arg8 : memref<128xi32, #tpu.memory_space<vmem>>) target_semaphore(%arg16 : memref<!tpu.dma_semaphore, #tpu.memory_space<semaphore_mem>>)
      } else {
      }
    }
    %scan3A_43 = arith.constant 39 : i32
    %add3A_44 = arith.constant 9984 : i32
    %add3A_45 = arith.addi %mul3A_2, %add3A_44 : i32
    %dma_start3A_46 = arith.constant 0 : i32
    %dma_start3A_47 = arith.constant 0 : i32
    %dma_start3A_48 = tpu.memref_slice %arg10[%dma_start3A_46, %dma_start3A_47] : memref<128x128xf32, #tpu.memory_space<vmem>> -> memref<16x128xf32, #tpu.memory_space<vmem>>
    %dma_start3A_49 = arith.constant 9984 : i32
    %dma_start3A_50 = tpu.memref_slice %arg6[%dma_start3A_49] : memref<10000xi32, #tpu.memory_space<vmem>> -> memref<16xi32, #tpu.memory_space<vmem>>
    %dma_start3A_51 = arith.constant 0 : i32
    %dma_start3A_52 = arith.constant 0 : i32
    %dma_start3A_53 = tpu.memref_slice %arg2[%dma_start3A_51, %dma_start3A_52] : memref<10000x128xf32, #tpu.memory_space<hbm>> -> memref<10000x128xf32, #tpu.memory_space<hbm>>
    tpu.enqueue_indirect_dma source(%dma_start3A_53 : memref<10000x128xf32, #tpu.memory_space<hbm>>) target(%dma_start3A_48 : memref<16x128xf32, #tpu.memory_space<vmem>>) offsets(%dma_start3A_50 : memref<16xi32, #tpu.memory_space<vmem>>) semaphore(%arg13 : memref<!tpu.dma_semaphore, #tpu.memory_space<semaphore_mem>>)
    %add3A_54 = arith.constant 320000 : i32
    %add3A_55 = arith.addi %add3A_54, %add3A_45 : i32
    "tpu.region"() ({
      %run_scoped3A = tpu.sem_alloc : memref<!tpu.dma_semaphore, #tpu.memory_space<semaphore_mem>>
      %dma_start3A_69 = tpu.memref_slice %arg3[%add3A_55] : memref<640000xi32, #tpu.memory_space<hbm>> -> memref<16xi32, #tpu.memory_space<hbm>>
      %dma_start3A_70 = tpu.memref_slice %arg3[%add3A_55] : memref<640000xi32, #tpu.memory_space<hbm>> -> memref<16xi32, #tpu.memory_space<hbm>>
      tpu.enqueue_dma source(%dma_start3A_70 : memref<16xi32, #tpu.memory_space<hbm>>) target(%arg9 : memref<16xi32, #tpu.memory_space<vmem>>) target_semaphore(%run_scoped3A : memref<!tpu.dma_semaphore, #tpu.memory_space<semaphore_mem>>)
      %dma_wait3A_71 = tpu.memref_slice %arg3[%add3A_55] : memref<640000xi32, #tpu.memory_space<hbm>> -> memref<16xi32, #tpu.memory_space<hbm>>
      %dma_wait3A_72 = tpu.memref_slice %arg3[%add3A_55] : memref<640000xi32, #tpu.memory_space<hbm>> -> memref<16xi32, #tpu.memory_space<hbm>>
      tpu.wait_dma2 semaphore(%run_scoped3A : memref<!tpu.dma_semaphore, #tpu.memory_space<semaphore_mem>>) src(%dma_wait3A_72 : memref<16xi32, #tpu.memory_space<hbm>>) dst(%arg9 : memref<16xi32, #tpu.memory_space<vmem>>)
      tpu.yield
    }) : () -> ()
    %dma_wait3A_56 = arith.constant 0 : i32
    %dma_wait3A_57 = arith.constant 0 : i32
    %dma_wait3A_58 = tpu.memref_slice %arg10[%dma_wait3A_56, %dma_wait3A_57] : memref<128x128xf32, #tpu.memory_space<vmem>> -> memref<16x128xf32, #tpu.memory_space<vmem>>
    %dma_wait3A_59 = arith.constant 0 : i32
    %dma_wait3A_60 = tpu.memref_slice %arg6[%dma_wait3A_59] : memref<10000xi32, #tpu.memory_space<vmem>> -> memref<16xi32, #tpu.memory_space<vmem>>
    %dma_wait3A_61 = arith.constant 0 : i32
    %dma_wait3A_62 = arith.constant 0 : i32
    %dma_wait3A_63 = tpu.memref_slice %arg2[%dma_wait3A_61, %dma_wait3A_62] : memref<10000x128xf32, #tpu.memory_space<hbm>> -> memref<10000x128xf32, #tpu.memory_space<hbm>>
    tpu.wait_indirect_dma semaphore(%arg13 : memref<!tpu.dma_semaphore, #tpu.memory_space<semaphore_mem>>) src(%dma_wait3A_63 : memref<10000x128xf32, #tpu.memory_space<hbm>>) dst(%dma_wait3A_58 : memref<16x128xf32, #tpu.memory_space<vmem>>)
    "tpu.region"() ({
      %run_scoped3A = tpu.sem_alloc : memref<!tpu.dma_semaphore, #tpu.memory_space<semaphore_mem>>
      %dma_start3A_69 = arith.constant 0 : i32
      %dma_start3A_70 = arith.constant 0 : i32
      %dma_start3A_71 = tpu.memref_slice %arg10[%dma_start3A_69, %dma_start3A_70] : memref<128x128xf32, #tpu.memory_space<vmem>> -> memref<16x128xf32, #tpu.memory_space<vmem>>
      %dma_start3A_72 = arith.constant 0 : i32
      %dma_start3A_73 = arith.constant 0 : i32
      %dma_start3A_74 = tpu.memref_slice %arg12[%dma_start3A_72, %dma_start3A_73] : memref<10240x128xf32, #tpu.memory_space<vmem_shared>> -> memref<10240x128xf32, #tpu.memory_space<vmem_shared>>
      tpu.enqueue_indirect_dma source(%dma_start3A_71 : memref<16x128xf32, #tpu.memory_space<vmem>>) target(%dma_start3A_74 : memref<10240x128xf32, #tpu.memory_space<vmem_shared>>) offsets(%arg9 : memref<16xi32, #tpu.memory_space<vmem>>) semaphore(%run_scoped3A : memref<!tpu.dma_semaphore, #tpu.memory_space<semaphore_mem>>) {add = true}
      %dma_wait3A_75 = arith.constant 0 : i32
      %dma_wait3A_76 = arith.constant 0 : i32
      %dma_wait3A_77 = tpu.memref_slice %arg10[%dma_wait3A_75, %dma_wait3A_76] : memref<128x128xf32, #tpu.memory_space<vmem>> -> memref<16x128xf32, #tpu.memory_space<vmem>>
      %dma_wait3A_78 = arith.constant 0 : i32
      %dma_wait3A_79 = arith.constant 0 : i32
      %dma_wait3A_80 = tpu.memref_slice %arg12[%dma_wait3A_78, %dma_wait3A_79] : memref<10240x128xf32, #tpu.memory_space<vmem_shared>> -> memref<10240x128xf32, #tpu.memory_space<vmem_shared>>
      tpu.wait_indirect_dma semaphore(%run_scoped3A : memref<!tpu.dma_semaphore, #tpu.memory_space<semaphore_mem>>) src(%dma_wait3A_77 : memref<16x128xf32, #tpu.memory_space<vmem>>) dst(%dma_wait3A_80 : memref<10240x128xf32, #tpu.memory_space<vmem_shared>>)
      tpu.yield
    }) : () -> ()
    %barrier3A_64 = arith.constant 0 : index
    tpu.barrier barrier_id(%barrier3A_64)
    %mul3A_65 = arith.constant 640 : i32
    %mul3A_66 = arith.muli %arg1, %mul3A_65 : i32
    %mul3A_67 = arith.constant 640 : i32
    %mul3A_68 = arith.muli %arg1, %mul3A_67 : i32
    "tpu.region"() ({
      %run_scoped3A = tpu.sem_alloc : memref<!tpu.dma_semaphore, #tpu.memory_space<semaphore_mem>>
      %dma_start3A_69 = arith.constant 0 : i32
      %dma_start3A_70 = tpu.memref_slice %arg5[%arg0, %mul3A_68, %dma_start3A_69] : memref<2x10240x128xf32, #tpu.memory_space<hbm>> -> memref<1x640x128xf32, #tpu.memory_space<hbm>>
      %dma_start3A_71 = tpu.memref_squeeze %dma_start3A_70 : memref<1x640x128xf32, #tpu.memory_space<hbm>> -> memref<640x128xf32, #tpu.memory_space<hbm>>
      %dma_start3A_72 = arith.constant 0 : i32
      %dma_start3A_73 = tpu.memref_slice %arg12[%mul3A_66, %dma_start3A_72] : memref<10240x128xf32, #tpu.memory_space<vmem_shared>> -> memref<640x128xf32, #tpu.memory_space<vmem_shared>>
      tpu.enqueue_dma source(%dma_start3A_73 : memref<640x128xf32, #tpu.memory_space<vmem_shared>>) target(%dma_start3A_71 : memref<640x128xf32, #tpu.memory_space<hbm>>) target_semaphore(%run_scoped3A : memref<!tpu.dma_semaphore, #tpu.memory_space<semaphore_mem>>)
      %dma_wait3A_74 = arith.constant 0 : i32
      %dma_wait3A_75 = tpu.memref_slice %arg5[%arg0, %mul3A_68, %dma_wait3A_74] : memref<2x10240x128xf32, #tpu.memory_space<hbm>> -> memref<1x640x128xf32, #tpu.memory_space<hbm>>
      %dma_wait3A_76 = tpu.memref_squeeze %dma_wait3A_75 : memref<1x640x128xf32, #tpu.memory_space<hbm>> -> memref<640x128xf32, #tpu.memory_space<hbm>>
      %dma_wait3A_77 = arith.constant 0 : i32
      %dma_wait3A_78 = tpu.memref_slice %arg12[%mul3A_66, %dma_wait3A_77] : memref<10240x128xf32, #tpu.memory_space<vmem_shared>> -> memref<640x128xf32, #tpu.memory_space<vmem_shared>>
      tpu.wait_dma2 semaphore(%run_scoped3A : memref<!tpu.dma_semaphore, #tpu.memory_space<semaphore_mem>>) src(%dma_wait3A_78 : memref<640x128xf32, #tpu.memory_space<vmem_shared>>) dst(%dma_wait3A_76 : memref<640x128xf32, #tpu.memory_space<hbm>>)
      tpu.yield
    }) : () -> ()
    return
  }
}

#map = affine_map<(d0, d1) -> (0)>
module attributes {stable_mosaic.version = 14 : i64} {
  func.func @deg_kernel(%arg0: i32, %arg1: i32, %arg2: memref<640000xi32, #tpu.memory_space<hbm>>, %arg3: memref<20480xf32, #tpu.memory_space<hbm>>, %arg4: memref<128xi32, #tpu.memory_space<vmem>>, %arg5: memref<128xi32, #tpu.memory_space<vmem>>, %arg6: memref<128xi32, #tpu.memory_space<vmem>>, %arg7: memref<128xi32, #tpu.memory_space<vmem>>, %arg8: memref<32xi32, #tpu.memory_space<vmem>>, %arg9: memref<128xf32, #tpu.memory_space<vmem>>, %arg10: memref<640xf32, #tpu.memory_space<vmem>>, %arg11: memref<10240xf32, #tpu.memory_space<vmem_shared>>, %arg12: memref<!tpu.dma_semaphore, #tpu.memory_space<semaphore_mem>>, %arg13: memref<!tpu.dma_semaphore, #tpu.memory_space<semaphore_mem>>, %arg14: memref<!tpu.dma_semaphore, #tpu.memory_space<semaphore_mem>>, %arg15: memref<!tpu.dma_semaphore, #tpu.memory_space<semaphore_mem>>, %arg16: memref<!tpu.dma_semaphore, #tpu.memory_space<semaphore_mem>>, %arg17: memref<!tpu.dma_semaphore, #tpu.memory_space<semaphore_mem>>, %arg18: memref<!tpu.dma_semaphore, #tpu.memory_space<semaphore_mem>>, %arg19: memref<!tpu.dma_semaphore, #tpu.memory_space<semaphore_mem>>) attributes {dimension_semantics = [#tpu.dimension_semantics<core_parallel>, #tpu.dimension_semantics<subcore_parallel>], iteration_bounds = array<i64: 2, 16>, scalar_prefetch = 0 : i64, scratch_operands = 16 : i64, tpu.core_type = #tpu.core_type<sc_vector_subcore>, window_params = [{transform_indices = #map}, {transform_indices = #map}]} {
    %mul3A = arith.constant 320000 : i32
    %mul3A_0 = arith.muli %arg0, %mul3A : i32
    %mul3A_1 = arith.constant 20000 : i32
    %mul3A_2 = arith.muli %arg1, %mul3A_1 : i32
    %add3A = arith.addi %mul3A_0, %mul3A_2 : i32
    %add3A_3 = arith.constant 0 : i32
    %add3A_4 = arith.addi %add3A, %add3A_3 : i32
    %dma_start3A = tpu.memref_slice %arg2[%add3A_4] : memref<640000xi32, #tpu.memory_space<hbm>> -> memref<128xi32, #tpu.memory_space<hbm>>
    %dma_start3A_5 = tpu.memref_slice %arg2[%add3A_4] : memref<640000xi32, #tpu.memory_space<hbm>> -> memref<128xi32, #tpu.memory_space<hbm>>
    tpu.enqueue_dma source(%dma_start3A_5 : memref<128xi32, #tpu.memory_space<hbm>>) target(%arg4 : memref<128xi32, #tpu.memory_space<vmem>>) target_semaphore(%arg12 : memref<!tpu.dma_semaphore, #tpu.memory_space<semaphore_mem>>)
    %add3A_6 = arith.constant 128 : i32
    %add3A_7 = arith.addi %add3A, %add3A_6 : i32
    %dma_start3A_8 = tpu.memref_slice %arg2[%add3A_7] : memref<640000xi32, #tpu.memory_space<hbm>> -> memref<128xi32, #tpu.memory_space<hbm>>
    %dma_start3A_9 = tpu.memref_slice %arg2[%add3A_7] : memref<640000xi32, #tpu.memory_space<hbm>> -> memref<128xi32, #tpu.memory_space<hbm>>
    tpu.enqueue_dma source(%dma_start3A_9 : memref<128xi32, #tpu.memory_space<hbm>>) target(%arg5 : memref<128xi32, #tpu.memory_space<vmem>>) target_semaphore(%arg13 : memref<!tpu.dma_semaphore, #tpu.memory_space<semaphore_mem>>)
    %add3A_10 = arith.constant 256 : i32
    %add3A_11 = arith.addi %add3A, %add3A_10 : i32
    %dma_start3A_12 = tpu.memref_slice %arg2[%add3A_11] : memref<640000xi32, #tpu.memory_space<hbm>> -> memref<128xi32, #tpu.memory_space<hbm>>
    %dma_start3A_13 = tpu.memref_slice %arg2[%add3A_11] : memref<640000xi32, #tpu.memory_space<hbm>> -> memref<128xi32, #tpu.memory_space<hbm>>
    tpu.enqueue_dma source(%dma_start3A_13 : memref<128xi32, #tpu.memory_space<hbm>>) target(%arg6 : memref<128xi32, #tpu.memory_space<vmem>>) target_semaphore(%arg14 : memref<!tpu.dma_semaphore, #tpu.memory_space<semaphore_mem>>)
    %add3A_14 = arith.constant 384 : i32
    %add3A_15 = arith.addi %add3A, %add3A_14 : i32
    %dma_start3A_16 = tpu.memref_slice %arg2[%add3A_15] : memref<640000xi32, #tpu.memory_space<hbm>> -> memref<128xi32, #tpu.memory_space<hbm>>
    %dma_start3A_17 = tpu.memref_slice %arg2[%add3A_15] : memref<640000xi32, #tpu.memory_space<hbm>> -> memref<128xi32, #tpu.memory_space<hbm>>
    tpu.enqueue_dma source(%dma_start3A_17 : memref<128xi32, #tpu.memory_space<hbm>>) target(%arg7 : memref<128xi32, #tpu.memory_space<vmem>>) target_semaphore(%arg15 : memref<!tpu.dma_semaphore, #tpu.memory_space<semaphore_mem>>)
    %scan3A = arith.constant 0 : i32
    %scan3A_18 = arith.constant 0 : i32
    %scan3A_19 = arith.constant 8 : i32
    %scan3A_20 = arith.addi %scan3A_18, %scan3A_19 : i32
    %scan3A_21 = arith.constant 1 : i32
    scf.for %scan3A_47 = %scan3A_18 to %scan3A_20 step %scan3A_21  : i32 {
      %broadcast_in_dim3A = arith.constant 1.000000e+00 : f32
      %broadcast_in_dim3A_48 = vector.broadcast %broadcast_in_dim3A : f32 to vector<16xf32>
      %mul3A_49 = arith.constant 16 : i32
      %mul3A_50 = arith.muli %scan3A_47, %mul3A_49 : i32
      %swap3A = arith.index_cast %mul3A_50 : i32 to index
      %swap3A_51 = tpu.vector_load %arg9[%swap3A] {strides = array<i32>} : memref<128xf32, #tpu.memory_space<vmem>>, vector<16xf32>,
      %swap3A_52 = vector.shape_cast %swap3A_51 : vector<16xf32> to vector<16xf32>
      %swap3A_53 = vector.shape_cast %broadcast_in_dim3A_48 : vector<16xf32> to vector<16xf32>
      tpu.vector_store %arg9[%swap3A], %swap3A_53 {strides = array<i32>} : memref<128xf32, #tpu.memory_space<vmem>>, vector<16xf32>,
    }
    %scan3A_22 = arith.constant 8 : i32
    %scan3A_23 = arith.constant 0 : i32
    %scan3A_24 = arith.constant 0 : i32
    %scan3A_25 = arith.constant 40 : i32
    %scan3A_26 = arith.addi %scan3A_24, %scan3A_25 : i32
    %scan3A_27 = arith.constant 1 : i32
    scf.for %scan3A_47 = %scan3A_24 to %scan3A_26 step %scan3A_27  : i32 {
      %broadcast_in_dim3A = arith.constant 0.000000e+00 : f32
      %broadcast_in_dim3A_48 = vector.broadcast %broadcast_in_dim3A : f32 to vector<16xf32>
      %mul3A_49 = arith.constant 16 : i32
      %mul3A_50 = arith.muli %scan3A_47, %mul3A_49 : i32
      %swap3A = arith.index_cast %mul3A_50 : i32 to index
      %swap3A_51 = tpu.vector_load %arg10[%swap3A] {strides = array<i32>} : memref<640xf32, #tpu.memory_space<vmem>>, vector<16xf32>,
      %swap3A_52 = vector.shape_cast %swap3A_51 : vector<16xf32> to vector<16xf32>
      %swap3A_53 = vector.shape_cast %broadcast_in_dim3A_48 : vector<16xf32> to vector<16xf32>
      tpu.vector_store %arg10[%swap3A], %swap3A_53 {strides = array<i32>} : memref<640xf32, #tpu.memory_space<vmem>>, vector<16xf32>,
    }
    %scan3A_28 = arith.constant 40 : i32
    %mul3A_29 = arith.constant 640 : i32
    %mul3A_30 = arith.muli %arg1, %mul3A_29 : i32
    "tpu.region"() ({
      %run_scoped3A = tpu.sem_alloc : memref<!tpu.dma_semaphore, #tpu.memory_space<semaphore_mem>>
      %dma_start3A_47 = tpu.memref_slice %arg11[%mul3A_30] : memref<10240xf32, #tpu.memory_space<vmem_shared>> -> memref<640xf32, #tpu.memory_space<vmem_shared>>
      %dma_start3A_48 = tpu.memref_slice %arg11[%mul3A_30] : memref<10240xf32, #tpu.memory_space<vmem_shared>> -> memref<640xf32, #tpu.memory_space<vmem_shared>>
      tpu.enqueue_dma source(%arg10 : memref<640xf32, #tpu.memory_space<vmem>>) target(%dma_start3A_48 : memref<640xf32, #tpu.memory_space<vmem_shared>>) target_semaphore(%run_scoped3A : memref<!tpu.dma_semaphore, #tpu.memory_space<semaphore_mem>>)
      %dma_wait3A = tpu.memref_slice %arg11[%mul3A_30] : memref<10240xf32, #tpu.memory_space<vmem_shared>> -> memref<640xf32, #tpu.memory_space<vmem_shared>>
      %dma_wait3A_49 = tpu.memref_slice %arg11[%mul3A_30] : memref<10240xf32, #tpu.memory_space<vmem_shared>> -> memref<640xf32, #tpu.memory_space<vmem_shared>>
      tpu.wait_dma2 semaphore(%run_scoped3A : memref<!tpu.dma_semaphore, #tpu.memory_space<semaphore_mem>>) src(%arg10 : memref<640xf32, #tpu.memory_space<vmem>>) dst(%dma_wait3A_49 : memref<640xf32, #tpu.memory_space<vmem_shared>>)
      tpu.yield
    }) : () -> ()
    %barrier3A = arith.constant 0 : index
    tpu.barrier barrier_id(%barrier3A)
    %scan3A_31 = arith.constant 0 : i32
    %scan3A_32 = arith.constant 0 : i32
    %scan3A_33 = arith.constant 39 : i32
    %scan3A_34 = arith.addi %scan3A_32, %scan3A_33 : i32
    %scan3A_35 = arith.constant 1 : i32
    scf.for %scan3A_47 = %scan3A_32 to %scan3A_34 step %scan3A_35  : i32 {
      %mul3A_48 = arith.constant 4 : i32
      %mul3A_49 = arith.muli %mul3A_48, %scan3A_47 : i32
      %dma_wait3A = arith.constant 0 : i32
      %dma_wait3A_50 = tpu.memref_slice %arg2[%dma_wait3A] : memref<640000xi32, #tpu.memory_space<hbm>> -> memref<128xi32, #tpu.memory_space<hbm>>
      %dma_wait3A_51 = arith.constant 0 : i32
      %dma_wait3A_52 = tpu.memref_slice %arg2[%dma_wait3A_51] : memref<640000xi32, #tpu.memory_space<hbm>> -> memref<128xi32, #tpu.memory_space<hbm>>
      tpu.wait_dma2 semaphore(%arg12 : memref<!tpu.dma_semaphore, #tpu.memory_space<semaphore_mem>>) src(%dma_wait3A_52 : memref<128xi32, #tpu.memory_space<hbm>>) dst(%arg4 : memref<128xi32, #tpu.memory_space<vmem>>)
      "tpu.region"() ({
        %run_scoped3A = tpu.sem_alloc : memref<!tpu.dma_semaphore, #tpu.memory_space<semaphore_mem>>
        %dma_start3A_96 = arith.constant 0 : i32
        %dma_start3A_97 = tpu.memref_slice %arg11[%dma_start3A_96] : memref<10240xf32, #tpu.memory_space<vmem_shared>> -> memref<10240xf32, #tpu.memory_space<vmem_shared>>
        tpu.enqueue_indirect_dma source(%arg9 : memref<128xf32, #tpu.memory_space<vmem>>) target(%dma_start3A_97 : memref<10240xf32, #tpu.memory_space<vmem_shared>>) offsets(%arg4 : memref<128xi32, #tpu.memory_space<vmem>>) semaphore(%run_scoped3A : memref<!tpu.dma_semaphore, #tpu.memory_space<semaphore_mem>>) {add = true}
        %dma_wait3A_98 = arith.constant 0 : i32
        %dma_wait3A_99 = tpu.memref_slice %arg11[%dma_wait3A_98] : memref<10240xf32, #tpu.memory_space<vmem_shared>> -> memref<10240xf32, #tpu.memory_space<vmem_shared>>
        tpu.wait_indirect_dma semaphore(%run_scoped3A : memref<!tpu.dma_semaphore, #tpu.memory_space<semaphore_mem>>) src(%arg9 : memref<128xf32, #tpu.memory_space<vmem>>) dst(%dma_wait3A_99 : memref<10240xf32, #tpu.memory_space<vmem_shared>>)
        tpu.yield
      }) : () -> ()
      %add3A_53 = arith.constant 4 : i32
      %add3A_54 = arith.addi %mul3A_49, %add3A_53 : i32
      %lt3A = arith.constant 156 : i32
      %lt3A_55 = arith.cmpi slt, %add3A_54, %lt3A : i32
      %convert_element_type3A = arith.extui %lt3A_55 : i1 to i32
      %cond3A = arith.constant 0 : i32
      %cond3A_56 = arith.cmpi ne, %convert_element_type3A, %cond3A : i32
      scf.if %cond3A_56 {
        %add3A_96 = arith.constant 4 : i32
        %add3A_97 = arith.addi %mul3A_49, %add3A_96 : i32
        %mul3A_98 = arith.constant 128 : i32
        %mul3A_99 = arith.muli %add3A_97, %mul3A_98 : i32
        %add3A_100 = arith.addi %add3A, %mul3A_99 : i32
        %dma_start3A_101 = tpu.memref_slice %arg2[%add3A_100] : memref<640000xi32, #tpu.memory_space<hbm>> -> memref<128xi32, #tpu.memory_space<hbm>>
        %dma_start3A_102 = tpu.memref_slice %arg2[%add3A_100] : memref<640000xi32, #tpu.memory_space<hbm>> -> memref<128xi32, #tpu.memory_space<hbm>>
        tpu.enqueue_dma source(%dma_start3A_102 : memref<128xi32, #tpu.memory_space<hbm>>) target(%arg4 : memref<128xi32, #tpu.memory_space<vmem>>) target_semaphore(%arg12 : memref<!tpu.dma_semaphore, #tpu.memory_space<semaphore_mem>>)
      } else {
      }
      %add3A_57 = arith.constant 1 : i32
      %add3A_58 = arith.addi %mul3A_49, %add3A_57 : i32
      %dma_wait3A_59 = arith.constant 0 : i32
      %dma_wait3A_60 = tpu.memref_slice %arg2[%dma_wait3A_59] : memref<640000xi32, #tpu.memory_space<hbm>> -> memref<128xi32, #tpu.memory_space<hbm>>
      %dma_wait3A_61 = arith.constant 0 : i32
      %dma_wait3A_62 = tpu.memref_slice %arg2[%dma_wait3A_61] : memref<640000xi32, #tpu.memory_space<hbm>> -> memref<128xi32, #tpu.memory_space<hbm>>
      tpu.wait_dma2 semaphore(%arg13 : memref<!tpu.dma_semaphore, #tpu.memory_space<semaphore_mem>>) src(%dma_wait3A_62 : memref<128xi32, #tpu.memory_space<hbm>>) dst(%arg5 : memref<128xi32, #tpu.memory_space<vmem>>)
      "tpu.region"() ({
        %run_scoped3A = tpu.sem_alloc : memref<!tpu.dma_semaphore, #tpu.memory_space<semaphore_mem>>
        %dma_start3A_96 = arith.constant 0 : i32
        %dma_start3A_97 = tpu.memref_slice %arg11[%dma_start3A_96] : memref<10240xf32, #tpu.memory_space<vmem_shared>> -> memref<10240xf32, #tpu.memory_space<vmem_shared>>
        tpu.enqueue_indirect_dma source(%arg9 : memref<128xf32, #tpu.memory_space<vmem>>) target(%dma_start3A_97 : memref<10240xf32, #tpu.memory_space<vmem_shared>>) offsets(%arg5 : memref<128xi32, #tpu.memory_space<vmem>>) semaphore(%run_scoped3A : memref<!tpu.dma_semaphore, #tpu.memory_space<semaphore_mem>>) {add = true}
        %dma_wait3A_98 = arith.constant 0 : i32
        %dma_wait3A_99 = tpu.memref_slice %arg11[%dma_wait3A_98] : memref<10240xf32, #tpu.memory_space<vmem_shared>> -> memref<10240xf32, #tpu.memory_space<vmem_shared>>
        tpu.wait_indirect_dma semaphore(%run_scoped3A : memref<!tpu.dma_semaphore, #tpu.memory_space<semaphore_mem>>) src(%arg9 : memref<128xf32, #tpu.memory_space<vmem>>) dst(%dma_wait3A_99 : memref<10240xf32, #tpu.memory_space<vmem_shared>>)
        tpu.yield
      }) : () -> ()
      %add3A_63 = arith.constant 4 : i32
      %add3A_64 = arith.addi %add3A_58, %add3A_63 : i32
      %lt3A_65 = arith.constant 156 : i32
      %lt3A_66 = arith.cmpi slt, %add3A_64, %lt3A_65 : i32
      %convert_element_type3A_67 = arith.extui %lt3A_66 : i1 to i32
      %cond3A_68 = arith.constant 0 : i32
      %cond3A_69 = arith.cmpi ne, %convert_element_type3A_67, %cond3A_68 : i32
      scf.if %cond3A_69 {
        %add3A_96 = arith.constant 4 : i32
        %add3A_97 = arith.addi %add3A_58, %add3A_96 : i32
        %mul3A_98 = arith.constant 128 : i32
        %mul3A_99 = arith.muli %add3A_97, %mul3A_98 : i32
        %add3A_100 = arith.addi %add3A, %mul3A_99 : i32
        %dma_start3A_101 = tpu.memref_slice %arg2[%add3A_100] : memref<640000xi32, #tpu.memory_space<hbm>> -> memref<128xi32, #tpu.memory_space<hbm>>
        %dma_start3A_102 = tpu.memref_slice %arg2[%add3A_100] : memref<640000xi32, #tpu.memory_space<hbm>> -> memref<128xi32, #tpu.memory_space<hbm>>
        tpu.enqueue_dma source(%dma_start3A_102 : memref<128xi32, #tpu.memory_space<hbm>>) target(%arg5 : memref<128xi32, #tpu.memory_space<vmem>>) target_semaphore(%arg13 : memref<!tpu.dma_semaphore, #tpu.memory_space<semaphore_mem>>)
      } else {
      }
      %add3A_70 = arith.constant 2 : i32
      %add3A_71 = arith.addi %mul3A_49, %add3A_70 : i32
      %dma_wait3A_72 = arith.constant 0 : i32
      %dma_wait3A_73 = tpu.memref_slice %arg2[%dma_wait3A_72] : memref<640000xi32, #tpu.memory_space<hbm>> -> memref<128xi32, #tpu.memory_space<hbm>>
      %dma_wait3A_74 = arith.constant 0 : i32
      %dma_wait3A_75 = tpu.memref_slice %arg2[%dma_wait3A_74] : memref<640000xi32, #tpu.memory_space<hbm>> -> memref<128xi32, #tpu.memory_space<hbm>>
      tpu.wait_dma2 semaphore(%arg14 : memref<!tpu.dma_semaphore, #tpu.memory_space<semaphore_mem>>) src(%dma_wait3A_75 : memref<128xi32, #tpu.memory_space<hbm>>) dst(%arg6 : memref<128xi32, #tpu.memory_space<vmem>>)
      "tpu.region"() ({
        %run_scoped3A = tpu.sem_alloc : memref<!tpu.dma_semaphore, #tpu.memory_space<semaphore_mem>>
        %dma_start3A_96 = arith.constant 0 : i32
        %dma_start3A_97 = tpu.memref_slice %arg11[%dma_start3A_96] : memref<10240xf32, #tpu.memory_space<vmem_shared>> -> memref<10240xf32, #tpu.memory_space<vmem_shared>>
        tpu.enqueue_indirect_dma source(%arg9 : memref<128xf32, #tpu.memory_space<vmem>>) target(%dma_start3A_97 : memref<10240xf32, #tpu.memory_space<vmem_shared>>) offsets(%arg6 : memref<128xi32, #tpu.memory_space<vmem>>) semaphore(%run_scoped3A : memref<!tpu.dma_semaphore, #tpu.memory_space<semaphore_mem>>) {add = true}
        %dma_wait3A_98 = arith.constant 0 : i32
        %dma_wait3A_99 = tpu.memref_slice %arg11[%dma_wait3A_98] : memref<10240xf32, #tpu.memory_space<vmem_shared>> -> memref<10240xf32, #tpu.memory_space<vmem_shared>>
        tpu.wait_indirect_dma semaphore(%run_scoped3A : memref<!tpu.dma_semaphore, #tpu.memory_space<semaphore_mem>>) src(%arg9 : memref<128xf32, #tpu.memory_space<vmem>>) dst(%dma_wait3A_99 : memref<10240xf32, #tpu.memory_space<vmem_shared>>)
        tpu.yield
      }) : () -> ()
      %add3A_76 = arith.constant 4 : i32
      %add3A_77 = arith.addi %add3A_71, %add3A_76 : i32
      %lt3A_78 = arith.constant 156 : i32
      %lt3A_79 = arith.cmpi slt, %add3A_77, %lt3A_78 : i32
      %convert_element_type3A_80 = arith.extui %lt3A_79 : i1 to i32
      %cond3A_81 = arith.constant 0 : i32
      %cond3A_82 = arith.cmpi ne, %convert_element_type3A_80, %cond3A_81 : i32
      scf.if %cond3A_82 {
        %add3A_96 = arith.constant 4 : i32
        %add3A_97 = arith.addi %add3A_71, %add3A_96 : i32
        %mul3A_98 = arith.constant 128 : i32
        %mul3A_99 = arith.muli %add3A_97, %mul3A_98 : i32
        %add3A_100 = arith.addi %add3A, %mul3A_99 : i32
        %dma_start3A_101 = tpu.memref_slice %arg2[%add3A_100] : memref<640000xi32, #tpu.memory_space<hbm>> -> memref<128xi32, #tpu.memory_space<hbm>>
        %dma_start3A_102 = tpu.memref_slice %arg2[%add3A_100] : memref<640000xi32, #tpu.memory_space<hbm>> -> memref<128xi32, #tpu.memory_space<hbm>>
        tpu.enqueue_dma source(%dma_start3A_102 : memref<128xi32, #tpu.memory_space<hbm>>) target(%arg6 : memref<128xi32, #tpu.memory_space<vmem>>) target_semaphore(%arg14 : memref<!tpu.dma_semaphore, #tpu.memory_space<semaphore_mem>>)
      } else {
      }
      %add3A_83 = arith.constant 3 : i32
      %add3A_84 = arith.addi %mul3A_49, %add3A_83 : i32
      %dma_wait3A_85 = arith.constant 0 : i32
      %dma_wait3A_86 = tpu.memref_slice %arg2[%dma_wait3A_85] : memref<640000xi32, #tpu.memory_space<hbm>> -> memref<128xi32, #tpu.memory_space<hbm>>
      %dma_wait3A_87 = arith.constant 0 : i32
      %dma_wait3A_88 = tpu.memref_slice %arg2[%dma_wait3A_87] : memref<640000xi32, #tpu.memory_space<hbm>> -> memref<128xi32, #tpu.memory_space<hbm>>
      tpu.wait_dma2 semaphore(%arg15 : memref<!tpu.dma_semaphore, #tpu.memory_space<semaphore_mem>>) src(%dma_wait3A_88 : memref<128xi32, #tpu.memory_space<hbm>>) dst(%arg7 : memref<128xi32, #tpu.memory_space<vmem>>)
      "tpu.region"() ({
        %run_scoped3A = tpu.sem_alloc : memref<!tpu.dma_semaphore, #tpu.memory_space<semaphore_mem>>
        %dma_start3A_96 = arith.constant 0 : i32
        %dma_start3A_97 = tpu.memref_slice %arg11[%dma_start3A_96] : memref<10240xf32, #tpu.memory_space<vmem_shared>> -> memref<10240xf32, #tpu.memory_space<vmem_shared>>
        tpu.enqueue_indirect_dma source(%arg9 : memref<128xf32, #tpu.memory_space<vmem>>) target(%dma_start3A_97 : memref<10240xf32, #tpu.memory_space<vmem_shared>>) offsets(%arg7 : memref<128xi32, #tpu.memory_space<vmem>>) semaphore(%run_scoped3A : memref<!tpu.dma_semaphore, #tpu.memory_space<semaphore_mem>>) {add = true}
        %dma_wait3A_98 = arith.constant 0 : i32
        %dma_wait3A_99 = tpu.memref_slice %arg11[%dma_wait3A_98] : memref<10240xf32, #tpu.memory_space<vmem_shared>> -> memref<10240xf32, #tpu.memory_space<vmem_shared>>
        tpu.wait_indirect_dma semaphore(%run_scoped3A : memref<!tpu.dma_semaphore, #tpu.memory_space<semaphore_mem>>) src(%arg9 : memref<128xf32, #tpu.memory_space<vmem>>) dst(%dma_wait3A_99 : memref<10240xf32, #tpu.memory_space<vmem_shared>>)
        tpu.yield
      }) : () -> ()
      %add3A_89 = arith.constant 4 : i32
      %add3A_90 = arith.addi %add3A_84, %add3A_89 : i32
      %lt3A_91 = arith.constant 156 : i32
      %lt3A_92 = arith.cmpi slt, %add3A_90, %lt3A_91 : i32
      %convert_element_type3A_93 = arith.extui %lt3A_92 : i1 to i32
      %cond3A_94 = arith.constant 0 : i32
      %cond3A_95 = arith.cmpi ne, %convert_element_type3A_93, %cond3A_94 : i32
      scf.if %cond3A_95 {
        %add3A_96 = arith.constant 4 : i32
        %add3A_97 = arith.addi %add3A_84, %add3A_96 : i32
        %mul3A_98 = arith.constant 128 : i32
        %mul3A_99 = arith.muli %add3A_97, %mul3A_98 : i32
        %add3A_100 = arith.addi %add3A, %mul3A_99 : i32
        %dma_start3A_101 = tpu.memref_slice %arg2[%add3A_100] : memref<640000xi32, #tpu.memory_space<hbm>> -> memref<128xi32, #tpu.memory_space<hbm>>
        %dma_start3A_102 = tpu.memref_slice %arg2[%add3A_100] : memref<640000xi32, #tpu.memory_space<hbm>> -> memref<128xi32, #tpu.memory_space<hbm>>
        tpu.enqueue_dma source(%dma_start3A_102 : memref<128xi32, #tpu.memory_space<hbm>>) target(%arg7 : memref<128xi32, #tpu.memory_space<vmem>>) target_semaphore(%arg15 : memref<!tpu.dma_semaphore, #tpu.memory_space<semaphore_mem>>)
      } else {
      }
    }
    %scan3A_36 = arith.constant 39 : i32
    %add3A_37 = arith.constant 19968 : i32
    %add3A_38 = arith.addi %add3A, %add3A_37 : i32
    "tpu.region"() ({
      %run_scoped3A = tpu.sem_alloc : memref<!tpu.dma_semaphore, #tpu.memory_space<semaphore_mem>>
      %dma_start3A_47 = tpu.memref_slice %arg2[%add3A_38] : memref<640000xi32, #tpu.memory_space<hbm>> -> memref<32xi32, #tpu.memory_space<hbm>>
      %dma_start3A_48 = tpu.memref_slice %arg2[%add3A_38] : memref<640000xi32, #tpu.memory_space<hbm>> -> memref<32xi32, #tpu.memory_space<hbm>>
      tpu.enqueue_dma source(%dma_start3A_48 : memref<32xi32, #tpu.memory_space<hbm>>) target(%arg8 : memref<32xi32, #tpu.memory_space<vmem>>) target_semaphore(%run_scoped3A : memref<!tpu.dma_semaphore, #tpu.memory_space<semaphore_mem>>)
      %dma_wait3A = tpu.memref_slice %arg2[%add3A_38] : memref<640000xi32, #tpu.memory_space<hbm>> -> memref<32xi32, #tpu.memory_space<hbm>>
      %dma_wait3A_49 = tpu.memref_slice %arg2[%add3A_38] : memref<640000xi32, #tpu.memory_space<hbm>> -> memref<32xi32, #tpu.memory_space<hbm>>
      tpu.wait_dma2 semaphore(%run_scoped3A : memref<!tpu.dma_semaphore, #tpu.memory_space<semaphore_mem>>) src(%dma_wait3A_49 : memref<32xi32, #tpu.memory_space<hbm>>) dst(%arg8 : memref<32xi32, #tpu.memory_space<vmem>>)
      tpu.yield
    }) : () -> ()
    "tpu.region"() ({
      %run_scoped3A = tpu.sem_alloc : memref<!tpu.dma_semaphore, #tpu.memory_space<semaphore_mem>>
      %dma_start3A_47 = arith.constant 0 : i32
      %dma_start3A_48 = tpu.memref_slice %arg9[%dma_start3A_47] : memref<128xf32, #tpu.memory_space<vmem>> -> memref<32xf32, #tpu.memory_space<vmem>>
      %dma_start3A_49 = arith.constant 0 : i32
      %dma_start3A_50 = tpu.memref_slice %arg11[%dma_start3A_49] : memref<10240xf32, #tpu.memory_space<vmem_shared>> -> memref<10240xf32, #tpu.memory_space<vmem_shared>>
      tpu.enqueue_indirect_dma source(%dma_start3A_48 : memref<32xf32, #tpu.memory_space<vmem>>) target(%dma_start3A_50 : memref<10240xf32, #tpu.memory_space<vmem_shared>>) offsets(%arg8 : memref<32xi32, #tpu.memory_space<vmem>>) semaphore(%run_scoped3A : memref<!tpu.dma_semaphore, #tpu.memory_space<semaphore_mem>>) {add = true}
      %dma_wait3A = arith.constant 0 : i32
      %dma_wait3A_51 = tpu.memref_slice %arg9[%dma_wait3A] : memref<128xf32, #tpu.memory_space<vmem>> -> memref<32xf32, #tpu.memory_space<vmem>>
      %dma_wait3A_52 = arith.constant 0 : i32
      %dma_wait3A_53 = tpu.memref_slice %arg11[%dma_wait3A_52] : memref<10240xf32, #tpu.memory_space<vmem_shared>> -> memref<10240xf32, #tpu.memory_space<vmem_shared>>
      tpu.wait_indirect_dma semaphore(%run_scoped3A : memref<!tpu.dma_semaphore, #tpu.memory_space<semaphore_mem>>) src(%dma_wait3A_51 : memref<32xf32, #tpu.memory_space<vmem>>) dst(%dma_wait3A_53 : memref<10240xf32, #tpu.memory_space<vmem_shared>>)
      tpu.yield
    }) : () -> ()
    %barrier3A_39 = arith.constant 0 : index
    tpu.barrier barrier_id(%barrier3A_39)
    %mul3A_40 = arith.constant 640 : i32
    %mul3A_41 = arith.muli %arg1, %mul3A_40 : i32
    "tpu.region"() ({
      %run_scoped3A = tpu.sem_alloc : memref<!tpu.dma_semaphore, #tpu.memory_space<semaphore_mem>>
      %dma_start3A_47 = tpu.memref_slice %arg11[%mul3A_41] : memref<10240xf32, #tpu.memory_space<vmem_shared>> -> memref<640xf32, #tpu.memory_space<vmem_shared>>
      %dma_start3A_48 = tpu.memref_slice %arg11[%mul3A_41] : memref<10240xf32, #tpu.memory_space<vmem_shared>> -> memref<640xf32, #tpu.memory_space<vmem_shared>>
      tpu.enqueue_dma source(%dma_start3A_48 : memref<640xf32, #tpu.memory_space<vmem_shared>>) target(%arg10 : memref<640xf32, #tpu.memory_space<vmem>>) target_semaphore(%run_scoped3A : memref<!tpu.dma_semaphore, #tpu.memory_space<semaphore_mem>>)
      %dma_wait3A = tpu.memref_slice %arg11[%mul3A_41] : memref<10240xf32, #tpu.memory_space<vmem_shared>> -> memref<640xf32, #tpu.memory_space<vmem_shared>>
      %dma_wait3A_49 = tpu.memref_slice %arg11[%mul3A_41] : memref<10240xf32, #tpu.memory_space<vmem_shared>> -> memref<640xf32, #tpu.memory_space<vmem_shared>>
      tpu.wait_dma2 semaphore(%run_scoped3A : memref<!tpu.dma_semaphore, #tpu.memory_space<semaphore_mem>>) src(%dma_wait3A_49 : memref<640xf32, #tpu.memory_space<vmem_shared>>) dst(%arg10 : memref<640xf32, #tpu.memory_space<vmem>>)
      tpu.yield
    }) : () -> ()
    %mul3A_42 = arith.constant 10240 : i32
    %mul3A_43 = arith.muli %arg0, %mul3A_42 : i32
    %mul3A_44 = arith.constant 640 : i32
    %mul3A_45 = arith.muli %arg1, %mul3A_44 : i32
    %add3A_46 = arith.addi %mul3A_43, %mul3A_45 : i32
    "tpu.region"() ({
      %run_scoped3A = tpu.sem_alloc : memref<!tpu.dma_semaphore, #tpu.memory_space<semaphore_mem>>
      %dma_start3A_47 = tpu.memref_slice %arg3[%add3A_46] : memref<20480xf32, #tpu.memory_space<hbm>> -> memref<640xf32, #tpu.memory_space<hbm>>
      %dma_start3A_48 = tpu.memref_slice %arg3[%add3A_46] : memref<20480xf32, #tpu.memory_space<hbm>> -> memref<640xf32, #tpu.memory_space<hbm>>
      tpu.enqueue_dma source(%arg10 : memref<640xf32, #tpu.memory_space<vmem>>) target(%dma_start3A_48 : memref<640xf32, #tpu.memory_space<hbm>>) target_semaphore(%run_scoped3A : memref<!tpu.dma_semaphore, #tpu.memory_space<semaphore_mem>>)
      %dma_wait3A = tpu.memref_slice %arg3[%add3A_46] : memref<20480xf32, #tpu.memory_space<hbm>> -> memref<640xf32, #tpu.memory_space<hbm>>
      %dma_wait3A_49 = tpu.memref_slice %arg3[%add3A_46] : memref<20480xf32, #tpu.memory_space<hbm>> -> memref<640xf32, #tpu.memory_space<hbm>>
      tpu.wait_dma2 semaphore(%run_scoped3A : memref<!tpu.dma_semaphore, #tpu.memory_space<semaphore_mem>>) src(%arg10 : memref<640xf32, #tpu.memory_space<vmem>>) dst(%dma_wait3A_49 : memref<640xf32, #tpu.memory_space<hbm>>)
      tpu.yield
    }) : () -> ()
    return
  }
}

#map = affine_map<(d0, d1) -> (0, 0)>
#map1 = affine_map<(d0, d1) -> (0)>
#map2 = affine_map<(d0, d1) -> (0, 0, 0)>
module attributes {stable_mosaic.version = 14 : i64} {
  func.func @agg_kernel(%arg0: i32, %arg1: i32, %arg2: memref<10000x128xf32, #tpu.memory_space<hbm>>, %arg3: memref<640000xi32, #tpu.memory_space<hbm>>, %arg4: memref<10240x128xf32, #tpu.memory_space<hbm>>, %arg5: memref<2x10240x128xf32, #tpu.memory_space<hbm>>, %arg6: memref<10000xi32, #tpu.memory_space<vmem>>, %arg7: memref<128xi32, #tpu.memory_space<vmem>>, %arg8: memref<128xi32, #tpu.memory_space<vmem>>, %arg9: memref<16xi32, #tpu.memory_space<vmem>>, %arg10: memref<128x128xf32, #tpu.memory_space<vmem>>, %arg11: memref<128x128xf32, #tpu.memory_space<vmem>>, %arg12: memref<10240x128xf32, #tpu.memory_space<vmem_shared>>, %arg13: memref<!tpu.dma_semaphore, #tpu.memory_space<semaphore_mem>>, %arg14: memref<!tpu.dma_semaphore, #tpu.memory_space<semaphore_mem>>, %arg15: memref<!tpu.dma_semaphore, #tpu.memory_space<semaphore_mem>>, %arg16: memref<!tpu.dma_semaphore, #tpu.memory_space<semaphore_mem>>, %arg17: memref<!tpu.dma_semaphore, #tpu.memory_space<semaphore_mem>>, %arg18: memref<!tpu.dma_semaphore, #tpu.memory_space<semaphore_mem>>) attributes {dimension_semantics = [#tpu.dimension_semantics<core_parallel>, #tpu.dimension_semantics<subcore_parallel>], iteration_bounds = array<i64: 2, 16>, scalar_prefetch = 0 : i64, scratch_operands = 13 : i64, tpu.core_type = #tpu.core_type<sc_vector_subcore>, window_params = [{transform_indices = #map}, {transform_indices = #map1}, {transform_indices = #map}, {transform_indices = #map2}]} {
    %mul3A = arith.constant 16 : i32
    %mul3A_0 = arith.muli %arg0, %mul3A : i32
    %add3A = arith.addi %mul3A_0, %arg1 : i32
    %mul3A_1 = arith.constant 10000 : i32
    %mul3A_2 = arith.muli %add3A, %mul3A_1 : i32
    %mul3A_3 = arith.constant 640 : i32
    %mul3A_4 = arith.muli %arg1, %mul3A_3 : i32
    %mul3A_5 = arith.constant 640 : i32
    %mul3A_6 = arith.muli %arg1, %mul3A_5 : i32
    %dma_start3A = arith.constant 0 : i32
    %dma_start3A_7 = tpu.memref_slice %arg12[%mul3A_6, %dma_start3A] : memref<10240x128xf32, #tpu.memory_space<vmem_shared>> -> memref<640x128xf32, #tpu.memory_space<vmem_shared>>
    %dma_start3A_8 = arith.constant 0 : i32
    %dma_start3A_9 = tpu.memref_slice %arg4[%mul3A_4, %dma_start3A_8] : memref<10240x128xf32, #tpu.memory_space<hbm>> -> memref<640x128xf32, #tpu.memory_space<hbm>>
    tpu.enqueue_dma source(%dma_start3A_9 : memref<640x128xf32, #tpu.memory_space<hbm>>) target(%dma_start3A_7 : memref<640x128xf32, #tpu.memory_space<vmem_shared>>) target_semaphore(%arg17 : memref<!tpu.dma_semaphore, #tpu.memory_space<semaphore_mem>>)
    %dma_start3A_10 = tpu.memref_slice %arg3[%mul3A_2] : memref<640000xi32, #tpu.memory_space<hbm>> -> memref<10000xi32, #tpu.memory_space<hbm>>
    %dma_start3A_11 = tpu.memref_slice %arg3[%mul3A_2] : memref<640000xi32, #tpu.memory_space<hbm>> -> memref<10000xi32, #tpu.memory_space<hbm>>
    tpu.enqueue_dma source(%dma_start3A_11 : memref<10000xi32, #tpu.memory_space<hbm>>) target(%arg6 : memref<10000xi32, #tpu.memory_space<vmem>>) target_semaphore(%arg18 : memref<!tpu.dma_semaphore, #tpu.memory_space<semaphore_mem>>)
    %dma_wait3A = arith.constant 0 : i32
    %dma_wait3A_12 = tpu.memref_slice %arg12[%mul3A_6, %dma_wait3A] : memref<10240x128xf32, #tpu.memory_space<vmem_shared>> -> memref<640x128xf32, #tpu.memory_space<vmem_shared>>
    %dma_wait3A_13 = arith.constant 0 : i32
    %dma_wait3A_14 = tpu.memref_slice %arg4[%mul3A_4, %dma_wait3A_13] : memref<10240x128xf32, #tpu.memory_space<hbm>> -> memref<640x128xf32, #tpu.memory_space<hbm>>
    tpu.wait_dma2 semaphore(%arg17 : memref<!tpu.dma_semaphore, #tpu.memory_space<semaphore_mem>>) src(%dma_wait3A_14 : memref<640x128xf32, #tpu.memory_space<hbm>>) dst(%dma_wait3A_12 : memref<640x128xf32, #tpu.memory_space<vmem_shared>>)
    %dma_wait3A_15 = tpu.memref_slice %arg3[%mul3A_2] : memref<640000xi32, #tpu.memory_space<hbm>> -> memref<10000xi32, #tpu.memory_space<hbm>>
    %dma_wait3A_16 = tpu.memref_slice %arg3[%mul3A_2] : memref<640000xi32, #tpu.memory_space<hbm>> -> memref<10000xi32, #tpu.memory_space<hbm>>
    tpu.wait_dma2 semaphore(%arg18 : memref<!tpu.dma_semaphore, #tpu.memory_space<semaphore_mem>>) src(%dma_wait3A_16 : memref<10000xi32, #tpu.memory_space<hbm>>) dst(%arg6 : memref<10000xi32, #tpu.memory_space<vmem>>)
    %barrier3A = arith.constant 0 : index
    tpu.barrier barrier_id(%barrier3A)
    %dma_start3A_17 = arith.constant 0 : i32
    %dma_start3A_18 = tpu.memref_slice %arg6[%dma_start3A_17] : memref<10000xi32, #tpu.memory_space<vmem>> -> memref<128xi32, #tpu.memory_space<vmem>>
    %dma_start3A_19 = arith.constant 0 : i32
    %dma_start3A_20 = arith.constant 0 : i32
    %dma_start3A_21 = tpu.memref_slice %arg2[%dma_start3A_19, %dma_start3A_20] : memref<10000x128xf32, #tpu.memory_space<hbm>> -> memref<10000x128xf32, #tpu.memory_space<hbm>>
    tpu.enqueue_indirect_dma source(%dma_start3A_21 : memref<10000x128xf32, #tpu.memory_space<hbm>>) target(%arg10 : memref<128x128xf32, #tpu.memory_space<vmem>>) offsets(%dma_start3A_18 : memref<128xi32, #tpu.memory_space<vmem>>) semaphore(%arg13 : memref<!tpu.dma_semaphore, #tpu.memory_space<semaphore_mem>>)
    %add3A_22 = arith.constant 320000 : i32
    %add3A_23 = arith.addi %add3A_22, %mul3A_2 : i32
    %add3A_24 = arith.constant 0 : i32
    %add3A_25 = arith.addi %add3A_23, %add3A_24 : i32
    %dma_start3A_26 = tpu.memref_slice %arg3[%add3A_25] : memref<640000xi32, #tpu.memory_space<hbm>> -> memref<128xi32, #tpu.memory_space<hbm>>
    %dma_start3A_27 = tpu.memref_slice %arg3[%add3A_25] : memref<640000xi32, #tpu.memory_space<hbm>> -> memref<128xi32, #tpu.memory_space<hbm>>
    tpu.enqueue_dma source(%dma_start3A_27 : memref<128xi32, #tpu.memory_space<hbm>>) target(%arg7 : memref<128xi32, #tpu.memory_space<vmem>>) target_semaphore(%arg15 : memref<!tpu.dma_semaphore, #tpu.memory_space<semaphore_mem>>)
    %dma_start3A_28 = arith.constant 128 : i32
    %dma_start3A_29 = tpu.memref_slice %arg6[%dma_start3A_28] : memref<10000xi32, #tpu.memory_space<vmem>> -> memref<128xi32, #tpu.memory_space<vmem>>
    %dma_start3A_30 = arith.constant 0 : i32
    %dma_start3A_31 = arith.constant 0 : i32
    %dma_start3A_32 = tpu.memref_slice %arg2[%dma_start3A_30, %dma_start3A_31] : memref<10000x128xf32, #tpu.memory_space<hbm>> -> memref<10000x128xf32, #tpu.memory_space<hbm>>
    tpu.enqueue_indirect_dma source(%dma_start3A_32 : memref<10000x128xf32, #tpu.memory_space<hbm>>) target(%arg11 : memref<128x128xf32, #tpu.memory_space<vmem>>) offsets(%dma_start3A_29 : memref<128xi32, #tpu.memory_space<vmem>>) semaphore(%arg14 : memref<!tpu.dma_semaphore, #tpu.memory_space<semaphore_mem>>)
    %add3A_33 = arith.constant 320000 : i32
    %add3A_34 = arith.addi %add3A_33, %mul3A_2 : i32
    %add3A_35 = arith.constant 128 : i32
    %add3A_36 = arith.addi %add3A_34, %add3A_35 : i32
    %dma_start3A_37 = tpu.memref_slice %arg3[%add3A_36] : memref<640000xi32, #tpu.memory_space<hbm>> -> memref<128xi32, #tpu.memory_space<hbm>>
    %dma_start3A_38 = tpu.memref_slice %arg3[%add3A_36] : memref<640000xi32, #tpu.memory_space<hbm>> -> memref<128xi32, #tpu.memory_space<hbm>>
    tpu.enqueue_dma source(%dma_start3A_38 : memref<128xi32, #tpu.memory_space<hbm>>) target(%arg8 : memref<128xi32, #tpu.memory_space<vmem>>) target_semaphore(%arg16 : memref<!tpu.dma_semaphore, #tpu.memory_space<semaphore_mem>>)
    %scan3A = arith.constant 0 : i32
    %scan3A_39 = arith.constant 0 : i32
    %scan3A_40 = arith.constant 39 : i32
    %scan3A_41 = arith.addi %scan3A_39, %scan3A_40 : i32
    %scan3A_42 = arith.constant 1 : i32
    scf.for %scan3A_69 = %scan3A_39 to %scan3A_41 step %scan3A_42  : i32 {
      %mul3A_70 = arith.constant 2 : i32
      %mul3A_71 = arith.muli %mul3A_70, %scan3A_69 : i32
      %dma_wait3A_72 = arith.constant 0 : i32
      %dma_wait3A_73 = tpu.memref_slice %arg6[%dma_wait3A_72] : memref<10000xi32, #tpu.memory_space<vmem>> -> memref<128xi32, #tpu.memory_space<vmem>>
      %dma_wait3A_74 = arith.constant 0 : i32
      %dma_wait3A_75 = arith.constant 0 : i32
      %dma_wait3A_76 = tpu.memref_slice %arg2[%dma_wait3A_74, %dma_wait3A_75] : memref<10000x128xf32, #tpu.memory_space<hbm>> -> memref<10000x128xf32, #tpu.memory_space<hbm>>
      tpu.wait_indirect_dma semaphore(%arg13 : memref<!tpu.dma_semaphore, #tpu.memory_space<semaphore_mem>>) src(%dma_wait3A_76 : memref<10000x128xf32, #tpu.memory_space<hbm>>) dst(%arg10 : memref<128x128xf32, #tpu.memory_space<vmem>>)
      %dma_wait3A_77 = arith.constant 320000 : i32
      %dma_wait3A_78 = tpu.memref_slice %arg3[%dma_wait3A_77] : memref<640000xi32, #tpu.memory_space<hbm>> -> memref<128xi32, #tpu.memory_space<hbm>>
      %dma_wait3A_79 = arith.constant 320000 : i32
      %dma_wait3A_80 = tpu.memref_slice %arg3[%dma_wait3A_79] : memref<640000xi32, #tpu.memory_space<hbm>> -> memref<128xi32, #tpu.memory_space<hbm>>
      tpu.wait_dma2 semaphore(%arg15 : memref<!tpu.dma_semaphore, #tpu.memory_space<semaphore_mem>>) src(%dma_wait3A_80 : memref<128xi32, #tpu.memory_space<hbm>>) dst(%arg7 : memref<128xi32, #tpu.memory_space<vmem>>)
      "tpu.region"() ({
        %run_scoped3A = tpu.sem_alloc : memref<!tpu.dma_semaphore, #tpu.memory_space<semaphore_mem>>
        %dma_start3A_101 = arith.constant 0 : i32
        %dma_start3A_102 = arith.constant 0 : i32
        %dma_start3A_103 = tpu.memref_slice %arg12[%dma_start3A_101, %dma_start3A_102] : memref<10240x128xf32, #tpu.memory_space<vmem_shared>> -> memref<10240x128xf32, #tpu.memory_space<vmem_shared>>
        tpu.enqueue_indirect_dma source(%arg10 : memref<128x128xf32, #tpu.memory_space<vmem>>) target(%dma_start3A_103 : memref<10240x128xf32, #tpu.memory_space<vmem_shared>>) offsets(%arg7 : memref<128xi32, #tpu.memory_space<vmem>>) semaphore(%run_scoped3A : memref<!tpu.dma_semaphore, #tpu.memory_space<semaphore_mem>>) {add = true}
        %dma_wait3A_104 = arith.constant 0 : i32
        %dma_wait3A_105 = arith.constant 0 : i32
        %dma_wait3A_106 = tpu.memref_slice %arg12[%dma_wait3A_104, %dma_wait3A_105] : memref<10240x128xf32, #tpu.memory_space<vmem_shared>> -> memref<10240x128xf32, #tpu.memory_space<vmem_shared>>
        tpu.wait_indirect_dma semaphore(%run_scoped3A : memref<!tpu.dma_semaphore, #tpu.memory_space<semaphore_mem>>) src(%arg10 : memref<128x128xf32, #tpu.memory_space<vmem>>) dst(%dma_wait3A_106 : memref<10240x128xf32, #tpu.memory_space<vmem_shared>>)
        tpu.yield
      }) : () -> ()
      %add3A_81 = arith.constant 2 : i32
      %add3A_82 = arith.addi %mul3A_71, %add3A_81 : i32
      %lt3A = arith.constant 78 : i32
      %lt3A_83 = arith.cmpi slt, %add3A_82, %lt3A : i32
      %convert_element_type3A = arith.extui %lt3A_83 : i1 to i32
      %cond3A = arith.constant 0 : i32
      %cond3A_84 = arith.cmpi ne, %convert_element_type3A, %cond3A : i32
      scf.if %cond3A_84 {
        %add3A_101 = arith.constant 2 : i32
        %add3A_102 = arith.addi %mul3A_71, %add3A_101 : i32
        %mul3A_103 = arith.constant 128 : i32
        %mul3A_104 = arith.muli %add3A_102, %mul3A_103 : i32
        %dma_start3A_105 = tpu.memref_slice %arg6[%mul3A_104] : memref<10000xi32, #tpu.memory_space<vmem>> -> memref<128xi32, #tpu.memory_space<vmem>>
        %dma_start3A_106 = arith.constant 0 : i32
        %dma_start3A_107 = arith.constant 0 : i32
        %dma_start3A_108 = tpu.memref_slice %arg2[%dma_start3A_106, %dma_start3A_107] : memref<10000x128xf32, #tpu.memory_space<hbm>> -> memref<10000x128xf32, #tpu.memory_space<hbm>>
        tpu.enqueue_indirect_dma source(%dma_start3A_108 : memref<10000x128xf32, #tpu.memory_space<hbm>>) target(%arg10 : memref<128x128xf32, #tpu.memory_space<vmem>>) offsets(%dma_start3A_105 : memref<128xi32, #tpu.memory_space<vmem>>) semaphore(%arg13 : memref<!tpu.dma_semaphore, #tpu.memory_space<semaphore_mem>>)
        %add3A_109 = arith.constant 2 : i32
        %add3A_110 = arith.addi %mul3A_71, %add3A_109 : i32
        %add3A_111 = arith.constant 320000 : i32
        %add3A_112 = arith.addi %add3A_111, %mul3A_2 : i32
        %mul3A_113 = arith.constant 128 : i32
        %mul3A_114 = arith.muli %add3A_110, %mul3A_113 : i32
        %add3A_115 = arith.addi %add3A_112, %mul3A_114 : i32
        %dma_start3A_116 = tpu.memref_slice %arg3[%add3A_115] : memref<640000xi32, #tpu.memory_space<hbm>> -> memref<128xi32, #tpu.memory_space<hbm>>
        %dma_start3A_117 = tpu.memref_slice %arg3[%add3A_115] : memref<640000xi32, #tpu.memory_space<hbm>> -> memref<128xi32, #tpu.memory_space<hbm>>
        tpu.enqueue_dma source(%dma_start3A_117 : memref<128xi32, #tpu.memory_space<hbm>>) target(%arg7 : memref<128xi32, #tpu.memory_space<vmem>>) target_semaphore(%arg15 : memref<!tpu.dma_semaphore, #tpu.memory_space<semaphore_mem>>)
      } else {
      }
      %dma_wait3A_85 = arith.constant 0 : i32
      %dma_wait3A_86 = tpu.memref_slice %arg6[%dma_wait3A_85] : memref<10000xi32, #tpu.memory_space<vmem>> -> memref<128xi32, #tpu.memory_space<vmem>>
      %dma_wait3A_87 = arith.constant 0 : i32
      %dma_wait3A_88 = arith.constant 0 : i32
      %dma_wait3A_89 = tpu.memref_slice %arg2[%dma_wait3A_87, %dma_wait3A_88] : memref<10000x128xf32, #tpu.memory_space<hbm>> -> memref<10000x128xf32, #tpu.memory_space<hbm>>
      tpu.wait_indirect_dma semaphore(%arg14 : memref<!tpu.dma_semaphore, #tpu.memory_space<semaphore_mem>>) src(%dma_wait3A_89 : memref<10000x128xf32, #tpu.memory_space<hbm>>) dst(%arg11 : memref<128x128xf32, #tpu.memory_space<vmem>>)
      %dma_wait3A_90 = arith.constant 320000 : i32
      %dma_wait3A_91 = tpu.memref_slice %arg3[%dma_wait3A_90] : memref<640000xi32, #tpu.memory_space<hbm>> -> memref<128xi32, #tpu.memory_space<hbm>>
      %dma_wait3A_92 = arith.constant 320000 : i32
      %dma_wait3A_93 = tpu.memref_slice %arg3[%dma_wait3A_92] : memref<640000xi32, #tpu.memory_space<hbm>> -> memref<128xi32, #tpu.memory_space<hbm>>
      tpu.wait_dma2 semaphore(%arg16 : memref<!tpu.dma_semaphore, #tpu.memory_space<semaphore_mem>>) src(%dma_wait3A_93 : memref<128xi32, #tpu.memory_space<hbm>>) dst(%arg8 : memref<128xi32, #tpu.memory_space<vmem>>)
      "tpu.region"() ({
        %run_scoped3A = tpu.sem_alloc : memref<!tpu.dma_semaphore, #tpu.memory_space<semaphore_mem>>
        %dma_start3A_101 = arith.constant 0 : i32
        %dma_start3A_102 = arith.constant 0 : i32
        %dma_start3A_103 = tpu.memref_slice %arg12[%dma_start3A_101, %dma_start3A_102] : memref<10240x128xf32, #tpu.memory_space<vmem_shared>> -> memref<10240x128xf32, #tpu.memory_space<vmem_shared>>
        tpu.enqueue_indirect_dma source(%arg11 : memref<128x128xf32, #tpu.memory_space<vmem>>) target(%dma_start3A_103 : memref<10240x128xf32, #tpu.memory_space<vmem_shared>>) offsets(%arg8 : memref<128xi32, #tpu.memory_space<vmem>>) semaphore(%run_scoped3A : memref<!tpu.dma_semaphore, #tpu.memory_space<semaphore_mem>>) {add = true}
        %dma_wait3A_104 = arith.constant 0 : i32
        %dma_wait3A_105 = arith.constant 0 : i32
        %dma_wait3A_106 = tpu.memref_slice %arg12[%dma_wait3A_104, %dma_wait3A_105] : memref<10240x128xf32, #tpu.memory_space<vmem_shared>> -> memref<10240x128xf32, #tpu.memory_space<vmem_shared>>
        tpu.wait_indirect_dma semaphore(%run_scoped3A : memref<!tpu.dma_semaphore, #tpu.memory_space<semaphore_mem>>) src(%arg11 : memref<128x128xf32, #tpu.memory_space<vmem>>) dst(%dma_wait3A_106 : memref<10240x128xf32, #tpu.memory_space<vmem_shared>>)
        tpu.yield
      }) : () -> ()
      %add3A_94 = arith.constant 3 : i32
      %add3A_95 = arith.addi %mul3A_71, %add3A_94 : i32
      %lt3A_96 = arith.constant 78 : i32
      %lt3A_97 = arith.cmpi slt, %add3A_95, %lt3A_96 : i32
      %convert_element_type3A_98 = arith.extui %lt3A_97 : i1 to i32
      %cond3A_99 = arith.constant 0 : i32
      %cond3A_100 = arith.cmpi ne, %convert_element_type3A_98, %cond3A_99 : i32
      scf.if %cond3A_100 {
        %add3A_101 = arith.constant 3 : i32
        %add3A_102 = arith.addi %mul3A_71, %add3A_101 : i32
        %mul3A_103 = arith.constant 128 : i32
        %mul3A_104 = arith.muli %add3A_102, %mul3A_103 : i32
        %dma_start3A_105 = tpu.memref_slice %arg6[%mul3A_104] : memref<10000xi32, #tpu.memory_space<vmem>> -> memref<128xi32, #tpu.memory_space<vmem>>
        %dma_start3A_106 = arith.constant 0 : i32
        %dma_start3A_107 = arith.constant 0 : i32
        %dma_start3A_108 = tpu.memref_slice %arg2[%dma_start3A_106, %dma_start3A_107] : memref<10000x128xf32, #tpu.memory_space<hbm>> -> memref<10000x128xf32, #tpu.memory_space<hbm>>
        tpu.enqueue_indirect_dma source(%dma_start3A_108 : memref<10000x128xf32, #tpu.memory_space<hbm>>) target(%arg11 : memref<128x128xf32, #tpu.memory_space<vmem>>) offsets(%dma_start3A_105 : memref<128xi32, #tpu.memory_space<vmem>>) semaphore(%arg14 : memref<!tpu.dma_semaphore, #tpu.memory_space<semaphore_mem>>)
        %add3A_109 = arith.constant 3 : i32
        %add3A_110 = arith.addi %mul3A_71, %add3A_109 : i32
        %add3A_111 = arith.constant 320000 : i32
        %add3A_112 = arith.addi %add3A_111, %mul3A_2 : i32
        %mul3A_113 = arith.constant 128 : i32
        %mul3A_114 = arith.muli %add3A_110, %mul3A_113 : i32
        %add3A_115 = arith.addi %add3A_112, %mul3A_114 : i32
        %dma_start3A_116 = tpu.memref_slice %arg3[%add3A_115] : memref<640000xi32, #tpu.memory_space<hbm>> -> memref<128xi32, #tpu.memory_space<hbm>>
        %dma_start3A_117 = tpu.memref_slice %arg3[%add3A_115] : memref<640000xi32, #tpu.memory_space<hbm>> -> memref<128xi32, #tpu.memory_space<hbm>>
        tpu.enqueue_dma source(%dma_start3A_117 : memref<128xi32, #tpu.memory_space<hbm>>) target(%arg8 : memref<128xi32, #tpu.memory_space<vmem>>) target_semaphore(%arg16 : memref<!tpu.dma_semaphore, #tpu.memory_space<semaphore_mem>>)
      } else {
      }
    }
    %scan3A_43 = arith.constant 39 : i32
    %add3A_44 = arith.constant 9984 : i32
    %add3A_45 = arith.addi %mul3A_2, %add3A_44 : i32
    %dma_start3A_46 = arith.constant 0 : i32
    %dma_start3A_47 = arith.constant 0 : i32
    %dma_start3A_48 = tpu.memref_slice %arg10[%dma_start3A_46, %dma_start3A_47] : memref<128x128xf32, #tpu.memory_space<vmem>> -> memref<16x128xf32, #tpu.memory_space<vmem>>
    %dma_start3A_49 = arith.constant 9984 : i32
    %dma_start3A_50 = tpu.memref_slice %arg6[%dma_start3A_49] : memref<10000xi32, #tpu.memory_space<vmem>> -> memref<16xi32, #tpu.memory_space<vmem>>
    %dma_start3A_51 = arith.constant 0 : i32
    %dma_start3A_52 = arith.constant 0 : i32
    %dma_start3A_53 = tpu.memref_slice %arg2[%dma_start3A_51, %dma_start3A_52] : memref<10000x128xf32, #tpu.memory_space<hbm>> -> memref<10000x128xf32, #tpu.memory_space<hbm>>
    tpu.enqueue_indirect_dma source(%dma_start3A_53 : memref<10000x128xf32, #tpu.memory_space<hbm>>) target(%dma_start3A_48 : memref<16x128xf32, #tpu.memory_space<vmem>>) offsets(%dma_start3A_50 : memref<16xi32, #tpu.memory_space<vmem>>) semaphore(%arg13 : memref<!tpu.dma_semaphore, #tpu.memory_space<semaphore_mem>>)
    %add3A_54 = arith.constant 320000 : i32
    %add3A_55 = arith.addi %add3A_54, %add3A_45 : i32
    "tpu.region"() ({
      %run_scoped3A = tpu.sem_alloc : memref<!tpu.dma_semaphore, #tpu.memory_space<semaphore_mem>>
      %dma_start3A_69 = tpu.memref_slice %arg3[%add3A_55] : memref<640000xi32, #tpu.memory_space<hbm>> -> memref<16xi32, #tpu.memory_space<hbm>>
      %dma_start3A_70 = tpu.memref_slice %arg3[%add3A_55] : memref<640000xi32, #tpu.memory_space<hbm>> -> memref<16xi32, #tpu.memory_space<hbm>>
      tpu.enqueue_dma source(%dma_start3A_70 : memref<16xi32, #tpu.memory_space<hbm>>) target(%arg9 : memref<16xi32, #tpu.memory_space<vmem>>) target_semaphore(%run_scoped3A : memref<!tpu.dma_semaphore, #tpu.memory_space<semaphore_mem>>)
      %dma_wait3A_71 = tpu.memref_slice %arg3[%add3A_55] : memref<640000xi32, #tpu.memory_space<hbm>> -> memref<16xi32, #tpu.memory_space<hbm>>
      %dma_wait3A_72 = tpu.memref_slice %arg3[%add3A_55] : memref<640000xi32, #tpu.memory_space<hbm>> -> memref<16xi32, #tpu.memory_space<hbm>>
      tpu.wait_dma2 semaphore(%run_scoped3A : memref<!tpu.dma_semaphore, #tpu.memory_space<semaphore_mem>>) src(%dma_wait3A_72 : memref<16xi32, #tpu.memory_space<hbm>>) dst(%arg9 : memref<16xi32, #tpu.memory_space<vmem>>)
      tpu.yield
    }) : () -> ()
    %dma_wait3A_56 = arith.constant 0 : i32
    %dma_wait3A_57 = arith.constant 0 : i32
    %dma_wait3A_58 = tpu.memref_slice %arg10[%dma_wait3A_56, %dma_wait3A_57] : memref<128x128xf32, #tpu.memory_space<vmem>> -> memref<16x128xf32, #tpu.memory_space<vmem>>
    %dma_wait3A_59 = arith.constant 0 : i32
    %dma_wait3A_60 = tpu.memref_slice %arg6[%dma_wait3A_59] : memref<10000xi32, #tpu.memory_space<vmem>> -> memref<16xi32, #tpu.memory_space<vmem>>
    %dma_wait3A_61 = arith.constant 0 : i32
    %dma_wait3A_62 = arith.constant 0 : i32
    %dma_wait3A_63 = tpu.memref_slice %arg2[%dma_wait3A_61, %dma_wait3A_62] : memref<10000x128xf32, #tpu.memory_space<hbm>> -> memref<10000x128xf32, #tpu.memory_space<hbm>>
    tpu.wait_indirect_dma semaphore(%arg13 : memref<!tpu.dma_semaphore, #tpu.memory_space<semaphore_mem>>) src(%dma_wait3A_63 : memref<10000x128xf32, #tpu.memory_space<hbm>>) dst(%dma_wait3A_58 : memref<16x128xf32, #tpu.memory_space<vmem>>)
    "tpu.region"() ({
      %run_scoped3A = tpu.sem_alloc : memref<!tpu.dma_semaphore, #tpu.memory_space<semaphore_mem>>
      %dma_start3A_69 = arith.constant 0 : i32
      %dma_start3A_70 = arith.constant 0 : i32
      %dma_start3A_71 = tpu.memref_slice %arg10[%dma_start3A_69, %dma_start3A_70] : memref<128x128xf32, #tpu.memory_space<vmem>> -> memref<16x128xf32, #tpu.memory_space<vmem>>
      %dma_start3A_72 = arith.constant 0 : i32
      %dma_start3A_73 = arith.constant 0 : i32
      %dma_start3A_74 = tpu.memref_slice %arg12[%dma_start3A_72, %dma_start3A_73] : memref<10240x128xf32, #tpu.memory_space<vmem_shared>> -> memref<10240x128xf32, #tpu.memory_space<vmem_shared>>
      tpu.enqueue_indirect_dma source(%dma_start3A_71 : memref<16x128xf32, #tpu.memory_space<vmem>>) target(%dma_start3A_74 : memref<10240x128xf32, #tpu.memory_space<vmem_shared>>) offsets(%arg9 : memref<16xi32, #tpu.memory_space<vmem>>) semaphore(%run_scoped3A : memref<!tpu.dma_semaphore, #tpu.memory_space<semaphore_mem>>) {add = true}
      %dma_wait3A_75 = arith.constant 0 : i32
      %dma_wait3A_76 = arith.constant 0 : i32
      %dma_wait3A_77 = tpu.memref_slice %arg10[%dma_wait3A_75, %dma_wait3A_76] : memref<128x128xf32, #tpu.memory_space<vmem>> -> memref<16x128xf32, #tpu.memory_space<vmem>>
      %dma_wait3A_78 = arith.constant 0 : i32
      %dma_wait3A_79 = arith.constant 0 : i32
      %dma_wait3A_80 = tpu.memref_slice %arg12[%dma_wait3A_78, %dma_wait3A_79] : memref<10240x128xf32, #tpu.memory_space<vmem_shared>> -> memref<10240x128xf32, #tpu.memory_space<vmem_shared>>
      tpu.wait_indirect_dma semaphore(%run_scoped3A : memref<!tpu.dma_semaphore, #tpu.memory_space<semaphore_mem>>) src(%dma_wait3A_77 : memref<16x128xf32, #tpu.memory_space<vmem>>) dst(%dma_wait3A_80 : memref<10240x128xf32, #tpu.memory_space<vmem_shared>>)
      tpu.yield
    }) : () -> ()
    %barrier3A_64 = arith.constant 0 : index
    tpu.barrier barrier_id(%barrier3A_64)
    %mul3A_65 = arith.constant 640 : i32
    %mul3A_66 = arith.muli %arg1, %mul3A_65 : i32
    %mul3A_67 = arith.constant 640 : i32
    %mul3A_68 = arith.muli %arg1, %mul3A_67 : i32
    "tpu.region"() ({
      %run_scoped3A = tpu.sem_alloc : memref<!tpu.dma_semaphore, #tpu.memory_space<semaphore_mem>>
      %dma_start3A_69 = arith.constant 0 : i32
      %dma_start3A_70 = tpu.memref_slice %arg5[%arg0, %mul3A_68, %dma_start3A_69] : memref<2x10240x128xf32, #tpu.memory_space<hbm>> -> memref<1x640x128xf32, #tpu.memory_space<hbm>>
      %dma_start3A_71 = tpu.memref_squeeze %dma_start3A_70 : memref<1x640x128xf32, #tpu.memory_space<hbm>> -> memref<640x128xf32, #tpu.memory_space<hbm>>
      %dma_start3A_72 = arith.constant 0 : i32
      %dma_start3A_73 = tpu.memref_slice %arg12[%mul3A_66, %dma_start3A_72] : memref<10240x128xf32, #tpu.memory_space<vmem_shared>> -> memref<640x128xf32, #tpu.memory_space<vmem_shared>>
      tpu.enqueue_dma source(%dma_start3A_73 : memref<640x128xf32, #tpu.memory_space<vmem_shared>>) target(%dma_start3A_71 : memref<640x128xf32, #tpu.memory_space<hbm>>) target_semaphore(%run_scoped3A : memref<!tpu.dma_semaphore, #tpu.memory_space<semaphore_mem>>)
      %dma_wait3A_74 = arith.constant 0 : i32
      %dma_wait3A_75 = tpu.memref_slice %arg5[%arg0, %mul3A_68, %dma_wait3A_74] : memref<2x10240x128xf32, #tpu.memory_space<hbm>> -> memref<1x640x128xf32, #tpu.memory_space<hbm>>
      %dma_wait3A_76 = tpu.memref_squeeze %dma_wait3A_75 : memref<1x640x128xf32, #tpu.memory_space<hbm>> -> memref<640x128xf32, #tpu.memory_space<hbm>>
      %dma_wait3A_77 = arith.constant 0 : i32
      %dma_wait3A_78 = tpu.memref_slice %arg12[%mul3A_66, %dma_wait3A_77] : memref<10240x128xf32, #tpu.memory_space<vmem_shared>> -> memref<640x128xf32, #tpu.memory_space<vmem_shared>>
      tpu.wait_dma2 semaphore(%run_scoped3A : memref<!tpu.dma_semaphore, #tpu.memory_space<semaphore_mem>>) src(%dma_wait3A_78 : memref<640x128xf32, #tpu.memory_space<vmem_shared>>) dst(%dma_wait3A_76 : memref<640x128xf32, #tpu.memory_space<hbm>>)
      tpu.yield
    }) : () -> ()
    return
  }
}

module attributes {stable_mosaic.version = 14 : i64} {
  func.func @body(%arg0: i32, %arg1: memref<1000x128xf32, #tpu.memory_space<vmem>>, %arg2: memref<1000x1xf32, #tpu.memory_space<vmem>>, %arg3: memref<1000x1xf32, #tpu.memory_space<vmem>>, %arg4: memref<1000x128xf32, #tpu.memory_space<vmem>>, %arg5: memref<1000x1xf32, #tpu.memory_space<vmem>>, %arg6: memref<1000x1xf32, #tpu.memory_space<vmem>>) attributes {dimension_semantics = [#tpu.dimension_semantics<arbitrary>], iteration_bounds = array<i64: 10>, scalar_prefetch = 0 : i64, scratch_operands = 0 : i64, tpu.core_type = #tpu.core_type<tc>, window_params = [{transform_indices = @transform_0, window_bounds = array<i64: 1000, 128>}, {transform_indices = @transform_1, window_bounds = array<i64: 1000, 1>}, {transform_indices = @transform_2, window_bounds = array<i64: 1000, 1>}, {transform_indices = @transform_3, window_bounds = array<i64: 1000, 128>}, {transform_indices = @transform_4, window_bounds = array<i64: 1000, 1>}, {transform_indices = @transform_5, window_bounds = array<i64: 1000, 1>}]} {
    %get3A = arith.constant 0 : index
    %get3A_0 = arith.constant 0 : index
    %get3A_1 = vector.load %arg2[%get3A, %get3A_0] : memref<1000x1xf32, #tpu.memory_space<vmem>>, vector<1000x1xf32>
    %max3A = arith.constant 1.000000e+00 : f32
    %max3A_2 = vector.broadcast %max3A : f32 to vector<1000x1xf32>
    %max3A_3 = arith.maximumf %get3A_1, %max3A_2 : vector<1000x1xf32>
    %rsqrt3A = math.rsqrt %max3A_3 : vector<1000x1xf32>
    %get3A_4 = arith.constant 0 : index
    %get3A_5 = arith.constant 0 : index
    %get3A_6 = vector.load %arg3[%get3A_4, %get3A_5] : memref<1000x1xf32, #tpu.memory_space<vmem>>, vector<1000x1xf32>
    %max3A_7 = arith.constant 1.000000e+00 : f32
    %max3A_8 = vector.broadcast %max3A_7 : f32 to vector<1000x1xf32>
    %max3A_9 = arith.maximumf %get3A_6, %max3A_8 : vector<1000x1xf32>
    %rsqrt3A_10 = math.rsqrt %max3A_9 : vector<1000x1xf32>
    %swap3A = arith.constant 0 : index
    %swap3A_11 = arith.constant 0 : index
    %swap3A_12 = vector.load %arg5[%swap3A, %swap3A_11] : memref<1000x1xf32, #tpu.memory_space<vmem>>, vector<1000x1xf32>
    tpu.vector_store %arg5[%swap3A, %swap3A_11], %rsqrt3A {strides = array<i32>} : memref<1000x1xf32, #tpu.memory_space<vmem>>, vector<1000x1xf32>,
    %swap3A_13 = arith.constant 0 : index
    %swap3A_14 = arith.constant 0 : index
    %swap3A_15 = vector.load %arg6[%swap3A_13, %swap3A_14] : memref<1000x1xf32, #tpu.memory_space<vmem>>, vector<1000x1xf32>
    tpu.vector_store %arg6[%swap3A_13, %swap3A_14], %rsqrt3A_10 {strides = array<i32>} : memref<1000x1xf32, #tpu.memory_space<vmem>>, vector<1000x1xf32>,
    %get3A_16 = arith.constant 0 : index
    %get3A_17 = arith.constant 0 : index
    %get3A_18 = vector.load %arg1[%get3A_16, %get3A_17] : memref<1000x128xf32, #tpu.memory_space<vmem>>, vector<1000x128xf32>
    %mul3A = vector.broadcast %rsqrt3A : vector<1000x1xf32> to vector<1000x128xf32>
    %mul3A_19 = arith.mulf %get3A_18, %mul3A : vector<1000x128xf32>
    %swap3A_20 = arith.constant 0 : index
    %swap3A_21 = arith.constant 0 : index
    %swap3A_22 = vector.load %arg4[%swap3A_20, %swap3A_21] : memref<1000x128xf32, #tpu.memory_space<vmem>>, vector<1000x128xf32>
    tpu.vector_store %arg4[%swap3A_20, %swap3A_21], %mul3A_19 {strides = array<i32>} : memref<1000x128xf32, #tpu.memory_space<vmem>>, vector<1000x128xf32>,
    return
  }
  func.func @transform_0(%arg0: i32) -> (i32, i32) {
    %c0_i32 = arith.constant 0 : i32
    %c0_i32_0 = arith.constant 0 : i32
    return %arg0, %c0_i32 : i32, i32
  }
  func.func @transform_1(%arg0: i32) -> (i32, i32) {
    %c0_i32 = arith.constant 0 : i32
    %c0_i32_0 = arith.constant 0 : i32
    return %arg0, %c0_i32 : i32, i32
  }
  func.func @transform_2(%arg0: i32) -> (i32, i32) {
    %c0_i32 = arith.constant 0 : i32
    %c0_i32_0 = arith.constant 0 : i32
    return %arg0, %c0_i32 : i32, i32
  }
  func.func @transform_3(%arg0: i32) -> (i32, i32) {
    %c0_i32 = arith.constant 0 : i32
    %c0_i32_0 = arith.constant 0 : i32
    return %arg0, %c0_i32 : i32, i32
  }
  func.func @transform_4(%arg0: i32) -> (i32, i32) {
    %c0_i32 = arith.constant 0 : i32
    %c0_i32_0 = arith.constant 0 : i32
    return %arg0, %c0_i32 : i32, i32
  }
  func.func @transform_5(%arg0: i32) -> (i32, i32) {
    %c0_i32 = arith.constant 0 : i32
    %c0_i32_0 = arith.constant 0 : i32
    return %arg0, %c0_i32 : i32, i32
  }
}

module attributes {stable_mosaic.version = 14 : i64} {
  func.func @body(%arg0: i32, %arg1: memref<1000x128xf32, #tpu.memory_space<vmem>>, %arg2: memref<1000x128xf32, #tpu.memory_space<vmem>>, %arg3: memref<1000x1xf32, #tpu.memory_space<vmem>>, %arg4: memref<1000x1xf32, #tpu.memory_space<vmem>>, %arg5: memref<128x512xf32, #tpu.memory_space<vmem>>, %arg6: memref<1x512xf32, #tpu.memory_space<vmem>>, %arg7: memref<512x128xf32, #tpu.memory_space<vmem>>, %arg8: memref<1000x128xf32, #tpu.memory_space<vmem>>) attributes {dimension_semantics = [#tpu.dimension_semantics<arbitrary>], iteration_bounds = array<i64: 10>, scalar_prefetch = 0 : i64, scratch_operands = 0 : i64, tpu.core_type = #tpu.core_type<tc>, window_params = [{transform_indices = @transform_0, window_bounds = array<i64: 1000, 128>}, {transform_indices = @transform_1, window_bounds = array<i64: 1000, 128>}, {transform_indices = @transform_2, window_bounds = array<i64: 1000, 1>}, {transform_indices = @transform_3, window_bounds = array<i64: 1000, 1>}, {pipeline_mode = #tpu.pipeline_mode<synchronous>, transform_indices = @transform_4, window_bounds = array<i64: 128, 512>}, {pipeline_mode = #tpu.pipeline_mode<synchronous>, transform_indices = @transform_5, window_bounds = array<i64: 1, 512>}, {pipeline_mode = #tpu.pipeline_mode<synchronous>, transform_indices = @transform_6, window_bounds = array<i64: 512, 128>}, {transform_indices = @transform_7, window_bounds = array<i64: 1000, 128>}]} {
    %get3A = arith.constant 0 : index
    %get3A_0 = arith.constant 0 : index
    %get3A_1 = vector.load %arg1[%get3A, %get3A_0] : memref<1000x128xf32, #tpu.memory_space<vmem>>, vector<1000x128xf32>
    %get3A_2 = arith.constant 0 : index
    %get3A_3 = arith.constant 0 : index
    %get3A_4 = vector.load %arg2[%get3A_2, %get3A_3] : memref<1000x128xf32, #tpu.memory_space<vmem>>, vector<1000x128xf32>
    %add3A = arith.addf %get3A_1, %get3A_4 : vector<1000x128xf32>
    %get3A_5 = arith.constant 0 : index
    %get3A_6 = arith.constant 0 : index
    %get3A_7 = vector.load %arg3[%get3A_5, %get3A_6] : memref<1000x1xf32, #tpu.memory_space<vmem>>, vector<1000x1xf32>
    %mul3A = vector.broadcast %get3A_7 : vector<1000x1xf32> to vector<1000x128xf32>
    %mul3A_8 = arith.mulf %add3A, %mul3A : vector<1000x128xf32>
    %get3A_9 = arith.constant 0 : index
    %get3A_10 = arith.constant 0 : index
    %get3A_11 = vector.load %arg5[%get3A_9, %get3A_10] : memref<128x512xf32, #tpu.memory_space<vmem>>, vector<128x512xf32>
    %dot_general3A = arith.constant dense<0.000000e+00> : vector<1000x512xf32>
    %dot_general3A_12 = tpu.matmul %mul3A_8, %get3A_11, %dot_general3A {dimension_numbers = #tpu.dot_dimension_numbers<[1], [0], [0], [1], [0, 0, 1, 1], [], []>, transpose_lhs_hint = false} : vector<1000x128xf32>, vector<128x512xf32>, vector<1000x512xf32> -> vector<1000x512xf32>
    %get3A_13 = arith.constant 0 : index
    %get3A_14 = arith.constant 0 : index
    %get3A_15 = vector.load %arg6[%get3A_13, %get3A_14] : memref<1x512xf32, #tpu.memory_space<vmem>>, vector<1x512xf32>
    %add3A_16 = vector.broadcast %get3A_15 : vector<1x512xf32> to vector<1000x512xf32>
    %add3A_17 = arith.addf %dot_general3A_12, %add3A_16 : vector<1000x512xf32>
    %max3A = arith.constant 0.000000e+00 : f32
    %max3A_18 = vector.broadcast %max3A : f32 to vector<1000x512xf32>
    %max3A_19 = arith.maximumf %add3A_17, %max3A_18 : vector<1000x512xf32>
    %get3A_20 = arith.constant 0 : index
    %get3A_21 = arith.constant 0 : index
    %get3A_22 = vector.load %arg7[%get3A_20, %get3A_21] : memref<512x128xf32, #tpu.memory_space<vmem>>, vector<512x128xf32>
    %dot_general3A_23 = arith.constant dense<0.000000e+00> : vector<1000x128xf32>
    %dot_general3A_24 = tpu.matmul %max3A_19, %get3A_22, %dot_general3A_23 {dimension_numbers = #tpu.dot_dimension_numbers<[1], [0], [0], [1], [0, 0, 1, 1], [], []>, transpose_lhs_hint = false} : vector<1000x512xf32>, vector<512x128xf32>, vector<1000x128xf32> -> vector<1000x128xf32>
    %get3A_25 = arith.constant 0 : index
    %get3A_26 = arith.constant 0 : index
    %get3A_27 = vector.load %arg4[%get3A_25, %get3A_26] : memref<1000x1xf32, #tpu.memory_space<vmem>>, vector<1000x1xf32>
    %mul3A_28 = vector.broadcast %get3A_27 : vector<1000x1xf32> to vector<1000x128xf32>
    %mul3A_29 = arith.mulf %dot_general3A_24, %mul3A_28 : vector<1000x128xf32>
    %swap3A = arith.constant 0 : index
    %swap3A_30 = arith.constant 0 : index
    %swap3A_31 = vector.load %arg8[%swap3A, %swap3A_30] : memref<1000x128xf32, #tpu.memory_space<vmem>>, vector<1000x128xf32>
    tpu.vector_store %arg8[%swap3A, %swap3A_30], %mul3A_29 {strides = array<i32>} : memref<1000x128xf32, #tpu.memory_space<vmem>>, vector<1000x128xf32>,
    return
  }
  func.func @transform_0(%arg0: i32) -> (i32, i32) {
    %c0_i32 = arith.constant 0 : i32
    %c0_i32_0 = arith.constant 0 : i32
    return %arg0, %c0_i32 : i32, i32
  }
  func.func @transform_1(%arg0: i32) -> (i32, i32) {
    %c0_i32 = arith.constant 0 : i32
    %c0_i32_0 = arith.constant 0 : i32
    return %arg0, %c0_i32 : i32, i32
  }
  func.func @transform_2(%arg0: i32) -> (i32, i32) {
    %c0_i32 = arith.constant 0 : i32
    %c0_i32_0 = arith.constant 0 : i32
    return %arg0, %c0_i32 : i32, i32
  }
  func.func @transform_3(%arg0: i32) -> (i32, i32) {
    %c0_i32 = arith.constant 0 : i32
    %c0_i32_0 = arith.constant 0 : i32
    return %arg0, %c0_i32 : i32, i32
  }
  func.func @transform_4(%arg0: i32) -> (i32, i32) {
    %c0_i32 = arith.constant 0 : i32
    %c0_i32_0 = arith.constant 0 : i32
    %c0_i32_1 = arith.constant 0 : i32
    return %c0_i32, %c0_i32_0 : i32, i32
  }
  func.func @transform_5(%arg0: i32) -> (i32, i32) {
    %c0_i32 = arith.constant 0 : i32
    %c0_i32_0 = arith.constant 0 : i32
    %c0_i32_1 = arith.constant 0 : i32
    return %c0_i32, %c0_i32_0 : i32, i32
  }
  func.func @transform_6(%arg0: i32) -> (i32, i32) {
    %c0_i32 = arith.constant 0 : i32
    %c0_i32_0 = arith.constant 0 : i32
    %c0_i32_1 = arith.constant 0 : i32
    return %c0_i32, %c0_i32_0 : i32, i32
  }
  func.func @transform_7(%arg0: i32) -> (i32, i32) {
    %c0_i32 = arith.constant 0 : i32
    %c0_i32_0 = arith.constant 0 : i32
    return %arg0, %c0_i32 : i32, i32
  }
}

module attributes {stable_mosaic.version = 14 : i64} {
  func.func @body(%arg0: i32, %arg1: memref<1000x128xf32, #tpu.memory_space<vmem>>, %arg2: memref<1000x128xf32, #tpu.memory_space<vmem>>, %arg3: memref<1000x1xf32, #tpu.memory_space<vmem>>, %arg4: memref<1x128xf32, #tpu.memory_space<vmem>>, %arg5: memref<1000x128xf32, #tpu.memory_space<vmem>>) attributes {dimension_semantics = [#tpu.dimension_semantics<arbitrary>], iteration_bounds = array<i64: 10>, scalar_prefetch = 0 : i64, scratch_operands = 0 : i64, tpu.core_type = #tpu.core_type<tc>, window_params = [{transform_indices = @transform_0, window_bounds = array<i64: 1000, 128>}, {transform_indices = @transform_1, window_bounds = array<i64: 1000, 128>}, {transform_indices = @transform_2, window_bounds = array<i64: 1000, 1>}, {pipeline_mode = #tpu.pipeline_mode<synchronous>, transform_indices = @transform_3, window_bounds = array<i64: 1, 128>}, {transform_indices = @transform_4, window_bounds = array<i64: 1000, 128>}]} {
    %get3A = arith.constant 0 : index
    %get3A_0 = arith.constant 0 : index
    %get3A_1 = vector.load %arg1[%get3A, %get3A_0] : memref<1000x128xf32, #tpu.memory_space<vmem>>, vector<1000x128xf32>
    %get3A_2 = arith.constant 0 : index
    %get3A_3 = arith.constant 0 : index
    %get3A_4 = vector.load %arg2[%get3A_2, %get3A_3] : memref<1000x128xf32, #tpu.memory_space<vmem>>, vector<1000x128xf32>
    %add3A = arith.addf %get3A_1, %get3A_4 : vector<1000x128xf32>
    %get3A_5 = arith.constant 0 : index
    %get3A_6 = arith.constant 0 : index
    %get3A_7 = vector.load %arg3[%get3A_5, %get3A_6] : memref<1000x1xf32, #tpu.memory_space<vmem>>, vector<1000x1xf32>
    %mul3A = vector.broadcast %get3A_7 : vector<1000x1xf32> to vector<1000x128xf32>
    %mul3A_8 = arith.mulf %add3A, %mul3A : vector<1000x128xf32>
    %get3A_9 = arith.constant 0 : index
    %get3A_10 = arith.constant 0 : index
    %get3A_11 = vector.load %arg4[%get3A_9, %get3A_10] : memref<1x128xf32, #tpu.memory_space<vmem>>, vector<1x128xf32>
    %add3A_12 = vector.broadcast %get3A_11 : vector<1x128xf32> to vector<1000x128xf32>
    %add3A_13 = arith.addf %mul3A_8, %add3A_12 : vector<1000x128xf32>
    %swap3A = arith.constant 0 : index
    %swap3A_14 = arith.constant 0 : index
    %swap3A_15 = vector.load %arg5[%swap3A, %swap3A_14] : memref<1000x128xf32, #tpu.memory_space<vmem>>, vector<1000x128xf32>
    tpu.vector_store %arg5[%swap3A, %swap3A_14], %add3A_13 {strides = array<i32>} : memref<1000x128xf32, #tpu.memory_space<vmem>>, vector<1000x128xf32>,
    return
  }
  func.func @transform_0(%arg0: i32) -> (i32, i32) {
    %c0_i32 = arith.constant 0 : i32
    %c0_i32_0 = arith.constant 0 : i32
    return %arg0, %c0_i32 : i32, i32
  }
  func.func @transform_1(%arg0: i32) -> (i32, i32) {
    %c0_i32 = arith.constant 0 : i32
    %c0_i32_0 = arith.constant 0 : i32
    return %arg0, %c0_i32 : i32, i32
  }
  func.func @transform_2(%arg0: i32) -> (i32, i32) {
    %c0_i32 = arith.constant 0 : i32
    %c0_i32_0 = arith.constant 0 : i32
    return %arg0, %c0_i32 : i32, i32
  }
  func.func @transform_3(%arg0: i32) -> (i32, i32) {
    %c0_i32 = arith.constant 0 : i32
    %c0_i32_0 = arith.constant 0 : i32
    %c0_i32_1 = arith.constant 0 : i32
    return %c0_i32, %c0_i32_0 : i32, i32
  }
  func.func @transform_4(%arg0: i32) -> (i32, i32) {
    %c0_i32 = arith.constant 0 : i32
    %c0_i32_0 = arith.constant 0 : i32
    return %arg0, %c0_i32 : i32, i32
  }
}

</mosaic_0001>

<sc_bundles>
// kernel: kernel.11.cloned.1.call-start
scs
__scs_entry_jumppad:
0x0: {  	(pc) =	sbr.rel $0x88, $3  }
0x1: {  	(tag) =	ssettag $0x0;
	lr =	simm.s32 $0x1  }
0x2: {  	[smem:$0x3F9B] =	sst lr;
	_ =	strace $0xD0000000  }
0x3: {  	_ = 	snop  }
0x4: {  	_ = 	snop  }
0x5: {  	_ = 	snop  }
0x6: {  	_ = 	snop  }
0x7: {  	_ = 	snop  }
__scs_overlays_trampoline_lowered:
0x8: {  	[smem:$0x3FAA] =	sst s0  }
0x9: {  	[smem:$0x3FAB] =	sst s1  }
0xa: {  	[smem:$0x3FAC] =	sst s2  }
0xb: {  	[smem:$0x3FAD] =	sst s3  }
0xc: {  	[smem:$0x3FAE] =	sst s4  }
0xd: {  	[smem:$0x3FAF] =	sst s5  }
0xe: {  	[smem:$0x3FB0] =	sst s6  }
0xf: {  	[smem:$0x3FB1] =	sst s7  }
0x10: {  	[smem:$0x3FB2] =	sst s8  }
0x11: {  	[smem:$0x3FB3] =	sst s9;
	s0 =	simm.s32 @!p0 $0x0  }
0x12: {  	s1 =	sld [smem:$0x3F99];
	s0 =	simm.s32 @p0 $0x1  }
0x13: {  	[smem:$0x3FB4] =	sst s0;
	s0 =	simm.s32 @!p1 $0x0  }
0x14: {  	s2 =	sld [smem:$0x3F98];
	s0 =	simm.s32 @p1 $0x1  }
0x15: {  	[smem:$0x3FB5] =	sst s0;
	s0 =	simm.s32 @!p2 $0x0  }
0x16: {  	s3 =	sld [smem:$0x3FDB];
	s0 =	simm.s32 @p2 $0x1  }
0x17: {  	s4 =	simm.s32 $0x1BF5;
	[smem:$0x3FB7] =	sst s0  }
0x18: {  	s0 =	sld [smem:$0x3F9A];
	_ =	swait.ge [sflag:s4], $0x0  }
0x19: {  	s7 =	sld [smem:$0x3F9B]  }
0x1a: {  	s8 =	sadd.s32 $0xFFFFE003, lr  }
0x1b: {  	s9 =	sadd.s32 $0xFFFFFEF7, lr;
	s5 =	simm.s32 $0xFFFFFFFF;
	p2 =	slt.u32 s8, $0xFFFFF086  }
0x1c: {  	p1 =	slt.u32 s9, $0xF7A;
	s5 =	simm.s32 @!p2 $0x0  }
0x1d: {  	s5 =	simm.s32 @p1 $0x1;
	p0 =	seq.s32 s7, s2  }
0x1e: {  	s7 =	smul.u32 @!p0 $0xF7A, s2;
	p2 =	seq.s32 @!p0 s5, $0x0  }
0x1f: {  	s9 =	smul.u32 $0xF7A, s1;
	s8 =	simm.s32 @!p0 $0x1BF5;
	p2 =	por !p2, p0  }
0x20: {  	[sflag:s8] =	ssyncset.s32 @!p0 $0xFFFFF086;
	s6 =	sadd.s32 @!p0 s3, s7;
	s7 =	simm.s32 @!p0 $0x108  }
0x21: {  	s3 =	sadd.s32 s3, s9;
	s6 =	sadd.s32 @!p0 $0x88, s6;
	s7 =	simm.s32 @p2 $0x1082  }
0x22: {  	[simem:s7], [sflag:s8] =	dma.local @!p0 [hbm:s6], $0xF7A  }
0x23: {  	s9 =	sor.u32 $0xD0000000, s2;
	s6 =	simm.s32 $0x108;
	_ =	swait.ge @!p0 [sflag:s8], $0x0  }
0x24: {  	s3 =	sadd.s32 $0x88, s3;
	s6 =	simm.s32 @!p1 $0x1082;
	[sflag:s4] =	ssyncset.s32 $0xFFFFF086  }
0x25: {  	[simem:s6], [sflag:s4] =	dma.local [hbm:s3], $0xF7A  }
0x26: {  	[smem:$0x3F9B] =	sst s1;
	(tag) =	ssettag s2;
	_ =	strace s9  }
0x27: {  	s1 =	sld [smem:$0x3FAB]  }
0x28: {  	s2 =	sld [smem:$0x3FAC]  }
0x29: {  	s4 =	sld [smem:$0x3FAE]  }
0x2a: {  	p0 =	seq.s32 s5, $0x0;
	s5 =	sld [smem:$0x3FAF]  }
0x2b: {  	s6 =	sld [smem:$0x3FB0]  }
0x2c: {  	s7 =	sld [smem:$0x3FB1]  }
0x2d: {  	s3 =	simm.s32 $0x108;
	s8 =	sld [smem:$0x3FB2]  }
0x2e: {  	s3 =	simm.s32 @!p0 $0x1082;
	s9 =	sld [smem:$0x3FB3]  }
0x2f: {  	lr =	sadd.s32 s0, s3;
	s0 =	sld [smem:$0x3FAA]  }
0x30: {  	s3 =	sld [smem:$0x3FAD]  }
0x31: {  	[smem:$0x3FB6] =	sst s10  }
0x32: {  	s10 =	sld [smem:$0x3FB4];
	_ =	sdelay $0x3  }
0x33: {  	p0 =	seq.s32 s10, $0x1;
	s10 =	sld [smem:$0x3FB6];
	_ =	sdelay $0x3  }
0x34: {  	[smem:$0x3FB6] =	sst s10  }
0x35: {  	s10 =	sld [smem:$0x3FB5];
	_ =	sdelay $0x3  }
0x36: {  	p1 =	seq.s32 s10, $0x1;
	s10 =	sld [smem:$0x3FB6];
	_ =	sdelay $0x3  }
0x37: {  	[smem:$0x3FB6] =	sst s10  }
0x38: {  	s10 =	sld [smem:$0x3FB7]  }
0x39: {  	_ = 	snop;
	(pc) =	sbr.ind lr, $3  }
0x3a: {  	_ = 	snop  }
0x3b: {  	_ = 	snop  }
0x3c: {  	p2 =	seq.s32 s10, $0x1;
	s10 =	sld [smem:$0x3FB6]  }
0x3d: {  	_ =	shalt  }
0x3e: {  	_ =	shalt  }
0x3f: {  	_ =	shalt  }
0x40: {  	_ =	shalt  }
0x41: {  	_ =	shalt  }
0x42: {  	_ =	shalt  }
0x43: {  	_ =	shalt  }
0x44: {  	_ =	shalt  }
0x45: {  	_ =	shalt  }
0x46: {  	_ =	shalt  }
0x47: {  	_ =	shalt  }
0x48: {  	_ =	shalt  }
0x49: {  	_ =	shalt  }
0x4a: {  	_ =	shalt  }
0x4b: {  	_ =	shalt  }
0x4c: {  	_ =	shalt  }
0x4d: {  	_ =	shalt  }
0x4e: {  	_ =	shalt  }
0x4f: {  	_ =	shalt  }
0x50: {  	_ =	shalt  }
0x51: {  	_ =	shalt  }
0x52: {  	_ =	shalt  }
0x53: {  	_ =	shalt  }
0x54: {  	_ =	shalt  }
0x55: {  	_ =	shalt  }
0x56: {  	_ =	shalt  }
0x57: {  	_ =	shalt  }
0x58: {  	_ =	shalt  }
0x59: {  	_ =	shalt  }
0x5a: {  	_ =	shalt  }
0x5b: {  	_ =	shalt  }
0x5c: {  	_ =	shalt  }
0x5d: {  	_ =	shalt  }
0x5e: {  	_ =	shalt  }
0x5f: {  	_ =	shalt  }
0x60: {  	_ =	shalt  }
0x61: {  	_ =	shalt  }
0x62: {  	_ =	shalt  }
0x63: {  	_ =	shalt  }
0x64: {  	_ =	shalt  }
0x65: {  	_ =	shalt  }
0x66: {  	_ =	shalt  }
0x67: {  	_ =	shalt  }
0x68: {  	_ =	shalt  }
0x69: {  	_ =	shalt  }
0x6a: {  	_ =	shalt  }
0x6b: {  	_ =	shalt  }
0x6c: {  	_ =	shalt  }
0x6d: {  	_ =	shalt  }
0x6e: {  	_ =	shalt  }
0x6f: {  	_ =	shalt  }
0x70: {  	_ =	shalt  }
0x71: {  	_ =	shalt  }
0x72: {  	_ =	shalt  }
0x73: {  	_ =	shalt  }
0x74: {  	_ =	shalt  }
0x75: {  	_ =	shalt  }
0x76: {  	_ =	shalt  }
0x77: {  	_ =	shalt  }
0x78: {  	_ =	shalt  }
0x79: {  	_ =	shalt  }
0x7a: {  	_ =	shalt  }
0x7b: {  	_ =	shalt  }
0x7c: {  	_ =	shalt  }
0x7d: {  	_ =	shalt  }
0x7e: {  	_ =	shalt  }
0x7f: {  	_ =	shalt  }
0x80: {  	_ =	shalt  }
0x81: {  	_ =	shalt  }
0x82: {  	_ =	shalt  }
0x83: {  	_ =	shalt  }
0x84: {  	_ =	shalt  }
0x85: {  	_ =	shalt  }
0x86: {  	_ =	shalt  }
0x87: {  	_ =	shalt  }
.Lfunc_end0:
.L_simem_size_0:
called_computation.1_lowered:
.L_overlay_start_0:
0x88: {  	s2 =	sld [smem:$0x3FD9]  }
0x89: {  	s3 =	sld [smem:$0x3FFE];
	_ =	sdelay $0x1  }
0x8a: {  	s1 =	srdreg.scid  }
0x8b: {  	s0 =	sand.u32 $0x1, s1  }
0x8c: {  	s17 =	sshll.u32 s0, $0xA;
	s2 =	sadd.s32 s3, s2  }
0x8d: {  	s2 =	sadd.s32 s2, s17  }
0x8e: {  	[smem:$0x3FC2] =	sst s2  }
0x8f: {  	_ = 	snop  }
0x90: {  	s2 =	sld [smem:$0x3FD0];
	(tm) =	ssettm $0x1  }
0x91: {  	s18 =	sld [smem:$0x3FFB];
	_ =	sdelay $0x3  }
0x92: {  	_ =	strace s18  }
0x93: {  	s3 =	sld [smem:$0x3FFC];
	_ =	sdelay $0x3  }
0x94: {  	_ =	strace s3  }
0x95: {  	s3 =	sld [smem:$0x3FFD];
	_ =	sdelay $0x3  }
0x96: {  	_ =	strace s3  }
0x97: {  	_ =	strace $0x8FFFFFFF  }
0x98: {  	s19 =	sld [smem:$0x3FDB];
	_ =	sdelay $0x1  }
0x99: {  	s4 =	simm.s32 $_scs_section_size  }
0x9a: {  	s5 =	simm.s32 $_size__tile_overlayer_lowered;
	s6 =	simm.s32 $_tile_overlayer_lowered  }
0x9b: {  	s22 =	simm.s32 $0x1BFF;
	s21 =	sshll.u32 s6, $0x1;
	s3 =	sadd.s32 s4, s19  }
0x9c: {  	s7 =	simm.s32 $0x0;
	s20 =	sshll.u32 s5, $0x1;
	s5 =	sadd.s32 s21, s3  }
0x9d: {  	[timem:s7], [sflag:s22] =	dma.local [hbm:s5], s20  }
0x9e: {  	_ =	swait.ge [sflag:s22], s20  }
0x9f: {  	s4 =	ssub.s32 $0x0, s20;
	[sflag:s22] =	ssyncset.done $0x0  }
0xa0: {  	[sflag:s22] =	ssyncadd.s32 s4;
	_ =	sdelay $0x1  }
0xa1: {  	s23 =	simm.s32 $0x1B8B  }
0xa2: {  	_ =	swait.ge [sflag:s23], $0x1  }
0xa3: {  	[sflag:s23] =	ssyncset.done $0x0  }
0xa4: {  	s25 =	simm.s32 $0x1B8E;
	s24 =	sld [smem:$0x3FFE];
	[sflag:s23] =	ssyncadd.s32 $0xFFFFFFFF  }
0xa5: {  	s26 =	simm.s32 $execute0_lowered;
	[smem:$0x3FD2] =	sst s25  }
0xa6: {  	s5 =	sshll.u32 s26, $0x1;
	_ =	strace $0x80000049;
	[dreg:$0x1] =	wrdreg $0xFFFFFFFF  }
0xa7: {  	s28 =	simm.s32 $_size_execute0_lowered;
	s3 =	sadd.s32 s3, s5;
	[dreg:$0x0] =	wrdreg $0x0  }
0xa8: {  	s5 =	sshll.u32 s28, $0x1;
	[dreg:$0x2] =	wrdreg s3  }
0xa9: {  	[dreg:$0x3] =	wrdreg s5  }
0xaa: {  	[dreg:$0x4] =	wrdreg $0xC0  }
0xab: {  	_ =	task [dreg:s7], $0x5FFFF  }
0xac: {  	[dreg:$0x1] =	wrdreg $0xFFFFFFFF  }
0xad: {  	[dreg:$0x0] =	wrdreg $0x60  }
0xae: {  	[dreg:$0x2] =	wrdreg s2  }
0xaf: {  	[dreg:$0x3] =	wrdreg s24  }
0xb0: {  	[dreg:$0x4] =	wrdreg $0xA9000  }
0xb1: {  	[dreg:$0x5] =	wrdreg $0x9  }
0xb2: {  	_ =	task.clear_ibuf [dreg:s7], $0x6FFFF;
	_ =	strace $0x90000049  }
0xb3: {  	s29 =	simm.s32 $0x9;
	_ =	strace $0x8000004B  }
0xb4: {  	_ =	swait.ge [sflag:s29], $0x1  }
0xb5: {  	[sflag:s29] =	ssyncadd.s32 $0xFFFFFFFF  }
0xb6: {  	_ =	strace $0x9000004B  }
0xb7: {  	_ =	sfence  }
0xb8: {  	s30 =	sld [smem:$0x0];
	_ =	sdelay $0x2  }
0xb9: {  	s31 =	sshll.u32 s1, $0xD;
	s1 =	sshrl.u32 s1, $0x2  }
0xba: {  	s3 =	sand.u32 $0x4000, s31;
	s1 =	sadd.s32 s1, s30  }
0xbb: {  	s0 =	sor.u32 s3, s0;
	s1 =	sshll.u32 s1, $0x11  }
0xbc: {  	s0 =	sor.u32 s1, s0  }
0xbd: {  	s0 =	sadd.s32 $0x8F2B, s0  }
0xbe: {  	[sflag:s0] =	ssyncadd.remote.s32 $0x1  }
0xbf: {  	_ =	sfence.sel $0xFFFF  }
0xc0: {  	[dreg:$0x0] =	wrdreg $0xFFFFFFFF;
	(pc) =	sbr.abs _section_cstart, $3  }
0xc1: {  	[dreg:$0x1] =	wrdreg $0xFFFFFFFF  }
0xc2: {  	_ =	task.clear_ibuf [dreg:s7], $0x2FFFF;
	_ =	strace $0x9FFFFFFF  }
0xc3: {  	(tm) =	ssettm $0x7FFFFFFF  }
tec
execute0_lowered:
.L_overlay_start_1:
0x0: {  	(tag) =	ssettag $0x1  }
0x1: {  	s2 =	rddreg [dreg:$0x0]  }
0x2: {  	s0 =	rddreg [dreg:$0x1]  }
0x3: {  	s3 =	rddreg [dreg:$0x2];
	s11 =	stileid.u32  }
0x4: {  	s1 =	srdreg.scid;
	s4 =	simm.s32 $0x0;
	s17 =	simm.s32 $0x5  }
0x5: {  	s18 =	simm.s32 $0x6;
	s28 =	simm.s32 $0x2;
	s5 =	smul.u32 $0x14000, s11  }
0x6: {  	s29 =	simm.s32 $0x4;
	s30 =	simm.s32 $0x10;
	s10 =	smul.u32 $0x50000, s11  }
0x7: {  	s1 =	sand.u32 $0x1, s1;
	[smem:$0x7FF] =	sst s4;
	s23 =	smul.u32 $0x2710, s11  }
0x8: {  	s8 =	sadd.s32 $0x2800, s0;
	s6 =	smul.u32 $0x140000, s1;
	_ =	strace $0x8000004A  }
0x9: {  	s20 =	sshll.u32 s1, $0x4;
	s9 =	ssub.s32 $0x2, s1;
	s1 =	smul.u32 $0x27100, s1  }
0xa: {  	s7 =	sshrl.u32 s5, $0x3;
	s21 =	sshrl.u32 s9, $0x1;
	s22 =	sshrl.u32 s10, $0x2  }
0xb: {  	s5 =	sadd.s32 s5, s6;
	s19 =	sadd.s32 s7, s0;
	s7 =	sor.u32 s11, s20  }
0xc: {  	s16 =	sadd.s32 s22, s3;
	s1 =	sadd.s32 s23, s1;
	s20 =	simm.s32 $0x2900  }
0xd: {  	s22 =	simm.s32 $0x6900;
	s23 =	simm.s32 $0x2800;
	s5 =	sshrl.u32 s5, $0x3  }
0xe: {  	s7 =	smul.u32 $0x2710, s7;
	s6 =	sadd.s32 $0x16200, s19;
	s13 =	sadd.s32 $0x4E300, s1  }
0xf: {  	s1 =	sadd.s32 $0x4E380, s1;
	s16 =	sshrl.u32 s16, $0x3;
	s19 =	simm.s32 $0x80  }
0x10: {  	s0 =	sadd.s32 s5, s0;
	s5 =	ssub.s32 s9, s21;
	[dreg:$0x4] =	wrdreg s6  }
0x11: {  	s6 =	sshll.u32 s11, $0x6;
	s26 =	sshrl.u32 s13, $0x3;
	s31 =	sshrl.u32 s1, $0x3  }
0x12: {  	s21 =	simm.s32 $0x2780;
	s1 =	simm.s32 $0x0;
	s7 =	sshrl.u32 s7, $0x3  }
0x13: {  	s24 =	sor.u32 $0x1C05, s6;
	s12 =	sadd.s32 $0x3E200, s0;
	s13 =	smax.u32 s5, $0x1  }
0x14: {  	s14 =	sadd.s32 s26, s8;
	s15 =	sadd.s32 s31, s8;
	s26 =	simm.s32 $0x7  }
0x15: {  	s0 =	simm.s32 $0x2880;
	s7 =	sadd.s32 s8, s7;
	[dreg:$0x5] =	wrdreg s24  }
0x16: {  	s24 =	simm.s32 $0x1;
	s25 =	sadd.s32 $0x9C40, s7;
	s10 =	sadd.s32 $0x9C50, s7  }
0x17: {  	s11 =	sadd.s32 $0xA120, s7;
	[dreg:$0x6] =	wrdreg s25;
	s25 =	simm.s32 $0x3  }
.LBB2_1:
0x18: {  	s5 =	rddreg [dreg:$0x4]  }
0x19: {  	s8 =	rddreg [dreg:$0x5]  }
0x1a: {  	[spmem:s16], [sflag:s8] =	dma.local [hbm:s5], $0x2800  }
0x1b: {  	[tilespmem:s4], [sflag:$0x6] =	stream.linear.gather [hbm4b:s7+s4], $0x2710, $0x38;
	[tilespmem:$0x1E900] =	vst v63  }
0x1c: {  	_ =	swait.ge [sflag:s17], $0x2800  }
0x1d: {  	[sflag:s17] =	ssyncset.done $0x0  }
0x1e: {  	[sflag:s17] =	ssyncadd.s32 $0xFFFFD800  }
0x1f: {  	_ =	swait.ge [sflag:s18], $0x2710  }
0x20: {  	[sflag:s18] =	ssyncset.done $0x0  }
0x21: {  	[sflag:s18] =	ssyncadd.s32 $0xFFFFD8F0  }
0x22: {  	[bflag:$0x0] =	sbarrier.arrive $0xFFFF  }
0x23: {  	[tilespmem:s20], [sflag:$0x1] =	stream.indirect.gather [hbm4b:s2+s19], $0x80, s4, s19, $0xb8;
	[tilespmem:$0x1E900] =	vst v63  }
0x24: {  	s8 =	rddreg [dreg:$0x6]  }
0x25: {  	[tilespmem:s21], [sflag:$0x3] =	stream.linear.gather [hbm4b:s8+s4], $0x80, $0x38;
	[tilespmem:$0x1E900] =	vst v63  }
0x26: {  	_ = 	snop  }
0x27: {  	[tilespmem:s22], [sflag:$0x2] =	stream.indirect.gather [hbm4b:s2+s19], $0x80, s19, s19, $0xb8;
	[tilespmem:$0x1E900] =	vst v63  }
0x28: {  	_ = 	snop  }
0x29: {  	[tilespmem:s23], [sflag:$0x4] =	stream.linear.gather [hbm4b:s10+s4], $0x80, $0x38;
	[tilespmem:$0x1E900] =	vst v63  }
0x2a: {  	_ =	swait.ge [sflag:s24], $0x4000  }
0x2b: {  	[sflag:s24] =	ssyncset.done $0x0  }
0x2c: {  	[sflag:s24] =	ssyncadd.s32 $0xFFFFC000  }
0x2d: {  	_ =	swait.ge [sflag:s25], $0x80  }
0x2e: {  	[sflag:s25] =	ssyncset.done $0x0  }
0x2f: {  	[sflag:s25] =	ssyncadd.s32 $0xFFFFFF80  }
0x30: {  	[spmem:s3] =	stream.indirect.scatter.add.f32 [tilespmem:s20], [sflag:$0x7], $0x80, s21, s19, $0xb8;
	[tilespmem:$0x1E900] =	vst v63  }
0x31: {  	_ =	swait.ge [sflag:s26], $0x4000  }
0x32: {  	[sflag:s26] =	ssyncset.done $0x0  }
0x33: {  	s9 =	simm.s32 $0x100;
	[sflag:s26] =	ssyncadd.s32 $0xFFFFC000  }
0x34: {  	[tilespmem:s20], [sflag:$0x1] =	stream.indirect.gather [hbm4b:s2+s19], $0x80, s9, s19, $0xb8;
	[tilespmem:$0x1E900] =	vst v63  }
0x35: {  	s8 =	sadd.s32 $0x0, s14  }
0x36: {  	[tilespmem:s21], [sflag:$0x3] =	stream.linear.gather [hbm4b:s8+s4], $0x80, $0x38;
	[tilespmem:$0x1E900] =	vst v63  }
0x37: {  	_ =	swait.ge [sflag:s28], $0x4000  }
0x38: {  	[sflag:s28] =	ssyncset.done $0x0  }
0x39: {  	[sflag:s28] =	ssyncadd.s32 $0xFFFFC000  }
0x3a: {  	_ =	swait.ge [sflag:s29], $0x80  }
0x3b: {  	[sflag:s29] =	ssyncset.done $0x0  }
0x3c: {  	[sflag:s29] =	ssyncadd.s32 $0xFFFFFF80  }
0x3d: {  	[spmem:s3] =	stream.indirect.scatter.add.f32 [tilespmem:s22], [sflag:$0x7], $0x80, s23, s19, $0xb8;
	[tilespmem:$0x1E900] =	vst v63  }
0x3e: {  	_ =	swait.ge [sflag:s26], $0x4000  }
0x3f: {  	s31 =	simm.s32 $0x20;
	s5 =	simm.s32 $0x200;
	[sflag:s26] =	ssyncset.done $0x0  }
0x40: {  	s9 =	simm.s32 $0x180;
	s8 =	sadd.s32 $0x0, s15;
	[sflag:s26] =	ssyncadd.s32 $0xFFFFC000  }
0x41: {  	[tilespmem:s22], [sflag:$0x2] =	stream.indirect.gather [hbm4b:s2+s19], $0x80, s9, s19, $0xb8;
	[tilespmem:$0x1E900] =	vst v63  }
.LBB2_2:
0x42: {  	[tilespmem:s23], [sflag:$0x4] =	stream.linear.gather [hbm4b:s8+s4], $0x80, $0x38;
	[tilespmem:$0x1E900] =	vst v63  }
0x43: {  	s8 =	smov.u32 s31  }
0x44: {  	p0 =	sne.s32 s31, $0x4A0;
	s31 =	sadd.s32 $0x20, s31;
	_ =	swait.ge [sflag:s24], $0x4000  }
0x45: {  	[sflag:s24] =	ssyncset.done $0x0  }
0x46: {  	[sflag:s24] =	ssyncadd.s32 $0xFFFFC000  }
0x47: {  	_ =	swait.ge [sflag:s25], $0x80  }
0x48: {  	[sflag:s25] =	ssyncset.done $0x0  }
0x49: {  	[sflag:s25] =	ssyncadd.s32 $0xFFFFFF80  }
0x4a: {  	[spmem:s3] =	stream.indirect.scatter.add.f32 [tilespmem:s20], [sflag:$0x7], $0x80, s21, s19, $0xb8;
	[tilespmem:$0x1E900] =	vst v63  }
0x4b: {  	_ =	swait.ge [sflag:s26], $0x4000  }
0x4c: {  	[sflag:s26] =	ssyncset.done $0x0  }
0x4d: {  	[sflag:s26] =	ssyncadd.s32 $0xFFFFC000  }
0x4e: {  	[tilespmem:s20], [sflag:$0x1] =	stream.indirect.gather [hbm4b:s2+s19], $0x80, s5, s19, $0xb8;
	[tilespmem:$0x1E900] =	vst v63  }
0x4f: {  	s9 =	sadd.s32 s8, s14  }
0x50: {  	[tilespmem:s21], [sflag:$0x3] =	stream.linear.gather [hbm4b:s9+s4], $0x80, $0x38;
	[tilespmem:$0x1E900] =	vst v63  }
0x51: {  	_ =	swait.ge [sflag:s28], $0x4000  }
0x52: {  	[sflag:s28] =	ssyncset.done $0x0  }
0x53: {  	[sflag:s28] =	ssyncadd.s32 $0xFFFFC000  }
0x54: {  	_ =	swait.ge [sflag:s29], $0x80  }
0x55: {  	[sflag:s29] =	ssyncset.done $0x0  }
0x56: {  	[sflag:s29] =	ssyncadd.s32 $0xFFFFFF80  }
0x57: {  	[spmem:s3] =	stream.indirect.scatter.add.f32 [tilespmem:s22], [sflag:$0x7], $0x80, s23, s19, $0xb8;
	[tilespmem:$0x1E900] =	vst v63  }
.Ltmp0:
0x58: {  	_ =	swait.ge [sflag:s26], $0x4000;
	(pc) =	sbr.rel @p0 .LBB2_2-.Ltmp0, $4  }
0x59: {  	[sflag:s26] =	ssyncset.done $0x0  }
0x5a: {  	s9 =	sadd.s32 $0x80, s5;
	[sflag:s26] =	ssyncadd.s32 $0xFFFFC000  }
0x5b: {  	[tilespmem:s22], [sflag:$0x2] =	stream.indirect.gather [hbm4b:s2+s19], $0x80, s9, s19, $0xb8;
	[tilespmem:$0x1E900] =	vst v63  }
0x5c: {  	s8 =	sadd.s32 s8, s15;
	s5 =	sadd.s32 $0x100, s5  }
0x5d: {  	[tilespmem:s23], [sflag:$0x4] =	stream.linear.gather [hbm4b:s8+s4], $0x80, $0x38;
	[tilespmem:$0x1E900] =	vst v63  }
0x5e: {  	_ =	swait.ge [sflag:s24], $0x4000  }
0x5f: {  	[sflag:s24] =	ssyncset.done $0x0  }
0x60: {  	[sflag:s24] =	ssyncadd.s32 $0xFFFFC000  }
0x61: {  	_ =	swait.ge [sflag:s25], $0x80  }
0x62: {  	[sflag:s25] =	ssyncset.done $0x0  }
0x63: {  	[sflag:s25] =	ssyncadd.s32 $0xFFFFFF80  }
0x64: {  	[spmem:s3] =	stream.indirect.scatter.add.f32 [tilespmem:s20], [sflag:$0x7], $0x80, s21, s19, $0xb8;
	[tilespmem:$0x1E900] =	vst v63  }
0x65: {  	_ =	swait.ge [sflag:s26], $0x4000  }
0x66: {  	[sflag:s26] =	ssyncset.done $0x0  }
0x67: {  	[sflag:s26] =	ssyncadd.s32 $0xFFFFC000  }
0x68: {  	_ =	swait.ge [sflag:s28], $0x4000  }
0x69: {  	[sflag:s28] =	ssyncset.done $0x0  }
0x6a: {  	[sflag:s28] =	ssyncadd.s32 $0xFFFFC000  }
0x6b: {  	_ =	swait.ge [sflag:s29], $0x80  }
0x6c: {  	[sflag:s29] =	ssyncset.done $0x0  }
0x6d: {  	[sflag:s29] =	ssyncadd.s32 $0xFFFFFF80  }
0x6e: {  	[spmem:s3] =	stream.indirect.scatter.add.f32 [tilespmem:s22], [sflag:$0x7], $0x80, s23, s19, $0xb8;
	[tilespmem:$0x1E900] =	vst v63  }
0x6f: {  	_ =	swait.ge [sflag:s26], $0x4000  }
0x70: {  	[sflag:s26] =	ssyncset.done $0x0  }
0x71: {  	s5 =	simm.s32 $0x2700;
	[sflag:s26] =	ssyncadd.s32 $0xFFFFC000  }
0x72: {  	[tilespmem:s20], [sflag:$0x1] =	stream.indirect.gather [hbm4b:s2+s30], $0x80, s5, s30, $0xb8;
	[tilespmem:$0x1E900] =	vst v63  }
0x73: {  	_ = 	snop  }
0x74: {  	[tilespmem:s0], [sflag:$0x7] =	stream.linear.gather [hbm4b:s11+s4], $0x10, $0x38;
	[tilespmem:$0x1E900] =	vst v63  }
0x75: {  	_ =	swait.ge [sflag:s26], $0x10  }
0x76: {  	[sflag:s26] =	ssyncset.done $0x0  }
0x77: {  	[sflag:s26] =	ssyncadd.s32 $0xFFFFFFF0  }
0x78: {  	_ =	swait.ge [sflag:s24], $0x800  }
0x79: {  	[sflag:s24] =	ssyncset.done $0x0  }
0x7a: {  	[sflag:s24] =	ssyncadd.s32 $0xFFFFF800  }
0x7b: {  	[spmem:s3] =	stream.indirect.scatter.add.f32 [tilespmem:s20], [sflag:$0x7], $0x80, s0, s30, $0xb8;
	[tilespmem:$0x1E900] =	vst v63  }
0x7c: {  	_ =	swait.ge [sflag:s26], $0x800  }
0x7d: {  	s1 =	sadd.s32 $0x1, s1;
	[sflag:s26] =	ssyncset.done $0x0  }
0x7e: {  	p0 =	sne.s32 s1, s13;
	[sflag:s26] =	ssyncadd.s32 $0xFFFFF800  }
.Ltmp1:
0x7f: {  	s31 =	sor.u32 $0x1C07, s6;
	[bflag:$0x0] =	sbarrier.arrive $0xFFFF;
	(pc) =	sbr.rel @p0 .LBB2_1-.Ltmp1, $4  }
0x80: {  	[hbm:s12], [sflag:s31] =	dma.local [spmem:s16], $0x2800  }
0x81: {  	_ =	swait.ge [sflag:s26], $0x2800  }
0x82: {  	[sflag:s26] =	ssyncset.done $0x0  }
0x83: {  	[sflag:s26] =	ssyncadd.s32 $0xFFFFD800  }
0x84: {  	_ =	sfence.sel $0x180000  }
0x85: {  	[bflag:$0x0] =	sbarrier.arrive $0xFFFF  }
0x86: {  	_ =	strace $0x9000004A  }
0x87: {  	s0 =	stileid.u32;
	[bflag:$0x2] =	sbarrier.arrive $0xFFFF  }
0x88: {  	p0 =	sne.s32 s0, $0x0;
	s0 =	rddreg [dreg:$0x3]  }
0x89: {  	s0 =	sadd.s32 @!p0 $0x100000, s0  }
0x8a: {  	[sflag:s0] =	ssyncadd.tile.s32 @!p0 $0x1;
	_ =	shalt  }
.Lfunc_end2:
_tile_overlayer_lowered:
.L_overlay_start_2:
0x8b: {  	(tag) =	ssettag $0x2  }
0x8c: {  	s0 =	rddreg [dreg:$0x0];
	s2 =	stileid.u32  }
0x8d: {  	s1 =	rddreg [dreg:$0x1];
	p0 =	sne.s32 s2, $0x0  }
0x8e: {  	s3 =	rddreg [dreg:$0x2];
	[bflag:$0x3] =	sbarrier.arrive $0xFFFF;
	s2 =	simm.s32 @!p0 $0x1C07  }
0x8f: {  	[timem:s3], [sflag:s2] =	dma.local @!p0 [hbm:s0], s1  }
0x90: {  	s0 =	simm.s32 @!p0 $0x7  }
0x91: {  	_ =	swait.ge @!p0 [sflag:s0], s1  }
0x92: {  	s1 =	ssub.s32 @!p0 $0x0, s1;
	[sflag:s0] =	ssyncset.done @!p0 $0x0  }
0x93: {  	[sflag:s0] =	ssyncadd.s32 @!p0 s1  }
0x94: {  	[bflag:$0x3] =	sbarrier.arrive $0xFFFF  }
0x95: {  	_ =	shalt  }

// kernel: kernel.14.cloned.1.call-start
scs
__scs_entry_jumppad:
0x0: {  	(pc) =	sbr.rel $0x88, $3  }
0x1: {  	(tag) =	ssettag $0x0;
	lr =	simm.s32 $0x1  }
0x2: {  	[smem:$0x3F9B] =	sst lr;
	_ =	strace $0xD0000000  }
0x3: {  	_ = 	snop  }
0x4: {  	_ = 	snop  }
0x5: {  	_ = 	snop  }
0x6: {  	_ = 	snop  }
0x7: {  	_ = 	snop  }
__scs_overlays_trampoline_lowered:
0x8: {  	[smem:$0x3FAA] =	sst s0  }
0x9: {  	[smem:$0x3FAB] =	sst s1  }
0xa: {  	[smem:$0x3FAC] =	sst s2  }
0xb: {  	[smem:$0x3FAD] =	sst s3  }
0xc: {  	[smem:$0x3FAE] =	sst s4  }
0xd: {  	[smem:$0x3FAF] =	sst s5  }
0xe: {  	[smem:$0x3FB0] =	sst s6  }
0xf: {  	[smem:$0x3FB1] =	sst s7  }
0x10: {  	[smem:$0x3FB2] =	sst s8  }
0x11: {  	[smem:$0x3FB3] =	sst s9;
	s0 =	simm.s32 @!p0 $0x0  }
0x12: {  	s1 =	sld [smem:$0x3F99];
	s0 =	simm.s32 @p0 $0x1  }
0x13: {  	[smem:$0x3FB4] =	sst s0;
	s0 =	simm.s32 @!p1 $0x0  }
0x14: {  	s2 =	sld [smem:$0x3F98];
	s0 =	simm.s32 @p1 $0x1  }
0x15: {  	[smem:$0x3FB5] =	sst s0;
	s0 =	simm.s32 @!p2 $0x0  }
0x16: {  	s3 =	sld [smem:$0x3FDB];
	s0 =	simm.s32 @p2 $0x1  }
0x17: {  	s4 =	simm.s32 $0x1BF5;
	[smem:$0x3FB7] =	sst s0  }
0x18: {  	s0 =	sld [smem:$0x3F9A];
	_ =	swait.ge [sflag:s4], $0x0  }
0x19: {  	s7 =	sld [smem:$0x3F9B]  }
0x1a: {  	s8 =	sadd.s32 $0xFFFFE003, lr  }
0x1b: {  	s9 =	sadd.s32 $0xFFFFFEF7, lr;
	s5 =	simm.s32 $0xFFFFFFFF;
	p2 =	slt.u32 s8, $0xFFFFF086  }
0x1c: {  	p1 =	slt.u32 s9, $0xF7A;
	s5 =	simm.s32 @!p2 $0x0  }
0x1d: {  	s5 =	simm.s32 @p1 $0x1;
	p0 =	seq.s32 s7, s2  }
0x1e: {  	s7 =	smul.u32 @!p0 $0xF7A, s2;
	p2 =	seq.s32 @!p0 s5, $0x0  }
0x1f: {  	s9 =	smul.u32 $0xF7A, s1;
	s8 =	simm.s32 @!p0 $0x1BF5;
	p2 =	por !p2, p0  }
0x20: {  	[sflag:s8] =	ssyncset.s32 @!p0 $0xFFFFF086;
	s6 =	sadd.s32 @!p0 s3, s7;
	s7 =	simm.s32 @!p0 $0x108  }
0x21: {  	s3 =	sadd.s32 s3, s9;
	s6 =	sadd.s32 @!p0 $0x88, s6;
	s7 =	simm.s32 @p2 $0x1082  }
0x22: {  	[simem:s7], [sflag:s8] =	dma.local @!p0 [hbm:s6], $0xF7A  }
0x23: {  	s9 =	sor.u32 $0xD0000000, s2;
	s6 =	simm.s32 $0x108;
	_ =	swait.ge @!p0 [sflag:s8], $0x0  }
0x24: {  	s3 =	sadd.s32 $0x88, s3;
	s6 =	simm.s32 @!p1 $0x1082;
	[sflag:s4] =	ssyncset.s32 $0xFFFFF086  }
0x25: {  	[simem:s6], [sflag:s4] =	dma.local [hbm:s3], $0xF7A  }
0x26: {  	[smem:$0x3F9B] =	sst s1;
	(tag) =	ssettag s2;
	_ =	strace s9  }
0x27: {  	s1 =	sld [smem:$0x3FAB]  }
0x28: {  	s2 =	sld [smem:$0x3FAC]  }
0x29: {  	s4 =	sld [smem:$0x3FAE]  }
0x2a: {  	p0 =	seq.s32 s5, $0x0;
	s5 =	sld [smem:$0x3FAF]  }
0x2b: {  	s6 =	sld [smem:$0x3FB0]  }
0x2c: {  	s7 =	sld [smem:$0x3FB1]  }
0x2d: {  	s3 =	simm.s32 $0x108;
	s8 =	sld [smem:$0x3FB2]  }
0x2e: {  	s3 =	simm.s32 @!p0 $0x1082;
	s9 =	sld [smem:$0x3FB3]  }
0x2f: {  	lr =	sadd.s32 s0, s3;
	s0 =	sld [smem:$0x3FAA]  }
0x30: {  	s3 =	sld [smem:$0x3FAD]  }
0x31: {  	[smem:$0x3FB6] =	sst s10  }
0x32: {  	s10 =	sld [smem:$0x3FB4];
	_ =	sdelay $0x3  }
0x33: {  	p0 =	seq.s32 s10, $0x1;
	s10 =	sld [smem:$0x3FB6];
	_ =	sdelay $0x3  }
0x34: {  	[smem:$0x3FB6] =	sst s10  }
0x35: {  	s10 =	sld [smem:$0x3FB5];
	_ =	sdelay $0x3  }
0x36: {  	p1 =	seq.s32 s10, $0x1;
	s10 =	sld [smem:$0x3FB6];
	_ =	sdelay $0x3  }
0x37: {  	[smem:$0x3FB6] =	sst s10  }
0x38: {  	s10 =	sld [smem:$0x3FB7]  }
0x39: {  	_ = 	snop;
	(pc) =	sbr.ind lr, $3  }
0x3a: {  	_ = 	snop  }
0x3b: {  	_ = 	snop  }
0x3c: {  	p2 =	seq.s32 s10, $0x1;
	s10 =	sld [smem:$0x3FB6]  }
0x3d: {  	_ =	shalt  }
0x3e: {  	_ =	shalt  }
0x3f: {  	_ =	shalt  }
0x40: {  	_ =	shalt  }
0x41: {  	_ =	shalt  }
0x42: {  	_ =	shalt  }
0x43: {  	_ =	shalt  }
0x44: {  	_ =	shalt  }
0x45: {  	_ =	shalt  }
0x46: {  	_ =	shalt  }
0x47: {  	_ =	shalt  }
0x48: {  	_ =	shalt  }
0x49: {  	_ =	shalt  }
0x4a: {  	_ =	shalt  }
0x4b: {  	_ =	shalt  }
0x4c: {  	_ =	shalt  }
0x4d: {  	_ =	shalt  }
0x4e: {  	_ =	shalt  }
0x4f: {  	_ =	shalt  }
0x50: {  	_ =	shalt  }
0x51: {  	_ =	shalt  }
0x52: {  	_ =	shalt  }
0x53: {  	_ =	shalt  }
0x54: {  	_ =	shalt  }
0x55: {  	_ =	shalt  }
0x56: {  	_ =	shalt  }
0x57: {  	_ =	shalt  }
0x58: {  	_ =	shalt  }
0x59: {  	_ =	shalt  }
0x5a: {  	_ =	shalt  }
0x5b: {  	_ =	shalt  }
0x5c: {  	_ =	shalt  }
0x5d: {  	_ =	shalt  }
0x5e: {  	_ =	shalt  }
0x5f: {  	_ =	shalt  }
0x60: {  	_ =	shalt  }
0x61: {  	_ =	shalt  }
0x62: {  	_ =	shalt  }
0x63: {  	_ =	shalt  }
0x64: {  	_ =	shalt  }
0x65: {  	_ =	shalt  }
0x66: {  	_ =	shalt  }
0x67: {  	_ =	shalt  }
0x68: {  	_ =	shalt  }
0x69: {  	_ =	shalt  }
0x6a: {  	_ =	shalt  }
0x6b: {  	_ =	shalt  }
0x6c: {  	_ =	shalt  }
0x6d: {  	_ =	shalt  }
0x6e: {  	_ =	shalt  }
0x6f: {  	_ =	shalt  }
0x70: {  	_ =	shalt  }
0x71: {  	_ =	shalt  }
0x72: {  	_ =	shalt  }
0x73: {  	_ =	shalt  }
0x74: {  	_ =	shalt  }
0x75: {  	_ =	shalt  }
0x76: {  	_ =	shalt  }
0x77: {  	_ =	shalt  }
0x78: {  	_ =	shalt  }
0x79: {  	_ =	shalt  }
0x7a: {  	_ =	shalt  }
0x7b: {  	_ =	shalt  }
0x7c: {  	_ =	shalt  }
0x7d: {  	_ =	shalt  }
0x7e: {  	_ =	shalt  }
0x7f: {  	_ =	shalt  }
0x80: {  	_ =	shalt  }
0x81: {  	_ =	shalt  }
0x82: {  	_ =	shalt  }
0x83: {  	_ =	shalt  }
0x84: {  	_ =	shalt  }
0x85: {  	_ =	shalt  }
0x86: {  	_ =	shalt  }
0x87: {  	_ =	shalt  }
.Lfunc_end0:
.L_simem_size_0:
called_computation.2_lowered:
.L_overlay_start_0:
0x88: {  	s2 =	sld [smem:$0x3FD9]  }
0x89: {  	s3 =	sld [smem:$0x3FFE];
	_ =	sdelay $0x1  }
0x8a: {  	s1 =	srdreg.scid  }
0x8b: {  	s0 =	sand.u32 $0x1, s1  }
0x8c: {  	s17 =	sshll.u32 s0, $0xA;
	s2 =	sadd.s32 s3, s2  }
0x8d: {  	s2 =	sadd.s32 s2, s17  }
0x8e: {  	[smem:$0x3FC2] =	sst s2  }
0x8f: {  	_ = 	snop  }
0x90: {  	s2 =	sld [smem:$0x3FD0];
	(tm) =	ssettm $0x1  }
0x91: {  	s18 =	sld [smem:$0x3FFB];
	_ =	sdelay $0x3  }
0x92: {  	_ =	strace s18  }
0x93: {  	s3 =	sld [smem:$0x3FFC];
	_ =	sdelay $0x3  }
0x94: {  	_ =	strace s3  }
0x95: {  	s3 =	sld [smem:$0x3FFD];
	_ =	sdelay $0x3  }
0x96: {  	_ =	strace s3  }
0x97: {  	_ =	strace $0x8FFFFFFF  }
0x98: {  	s19 =	sld [smem:$0x3FDB];
	_ =	sdelay $0x1  }
0x99: {  	s4 =	simm.s32 $_scs_section_size  }
0x9a: {  	s5 =	simm.s32 $_size__tile_overlayer_lowered;
	s6 =	simm.s32 $_tile_overlayer_lowered  }
0x9b: {  	s22 =	simm.s32 $0x1BFF;
	s21 =	sshll.u32 s6, $0x1;
	s3 =	sadd.s32 s4, s19  }
0x9c: {  	s7 =	simm.s32 $0x0;
	s20 =	sshll.u32 s5, $0x1;
	s5 =	sadd.s32 s21, s3  }
0x9d: {  	[timem:s7], [sflag:s22] =	dma.local [hbm:s5], s20  }
0x9e: {  	_ =	swait.ge [sflag:s22], s20  }
0x9f: {  	s4 =	ssub.s32 $0x0, s20;
	[sflag:s22] =	ssyncset.done $0x0  }
0xa0: {  	[sflag:s22] =	ssyncadd.s32 s4;
	_ =	sdelay $0x1  }
0xa1: {  	s23 =	simm.s32 $0x1B8B  }
0xa2: {  	_ =	swait.ge [sflag:s23], $0x1  }
0xa3: {  	[sflag:s23] =	ssyncset.done $0x0  }
0xa4: {  	s25 =	simm.s32 $0x1B8E;
	s24 =	sld [smem:$0x3FFE];
	[sflag:s23] =	ssyncadd.s32 $0xFFFFFFFF  }
0xa5: {  	s26 =	simm.s32 $execute0_lowered;
	[smem:$0x3FD2] =	sst s25  }
0xa6: {  	s5 =	sshll.u32 s26, $0x1;
	_ =	strace $0x8000004C;
	[dreg:$0x1] =	wrdreg $0xFFFFFFFF  }
0xa7: {  	s28 =	simm.s32 $_size_execute0_lowered;
	s3 =	sadd.s32 s3, s5;
	[dreg:$0x0] =	wrdreg $0x0  }
0xa8: {  	s5 =	sshll.u32 s28, $0x1;
	[dreg:$0x2] =	wrdreg s3  }
0xa9: {  	[dreg:$0x3] =	wrdreg s5  }
0xaa: {  	[dreg:$0x4] =	wrdreg $0xC0  }
0xab: {  	_ =	task [dreg:s7], $0x5FFFF  }
0xac: {  	[dreg:$0x1] =	wrdreg $0xFFFFFFFF  }
0xad: {  	[dreg:$0x0] =	wrdreg $0x60  }
0xae: {  	[dreg:$0x2] =	wrdreg s2  }
0xaf: {  	[dreg:$0x3] =	wrdreg s24  }
0xb0: {  	[dreg:$0x4] =	wrdreg $0xA9000  }
0xb1: {  	[dreg:$0x5] =	wrdreg $0x9  }
0xb2: {  	_ =	task.clear_ibuf [dreg:s7], $0x6FFFF;
	_ =	strace $0x9000004C  }
0xb3: {  	s29 =	simm.s32 $0x9;
	_ =	strace $0x8000004E  }
0xb4: {  	_ =	swait.ge [sflag:s29], $0x1  }
0xb5: {  	[sflag:s29] =	ssyncadd.s32 $0xFFFFFFFF  }
0xb6: {  	_ =	strace $0x9000004E  }
0xb7: {  	_ =	sfence  }
0xb8: {  	s30 =	sld [smem:$0x0];
	_ =	sdelay $0x2  }
0xb9: {  	s31 =	sshll.u32 s1, $0xD;
	s1 =	sshrl.u32 s1, $0x2  }
0xba: {  	s3 =	sand.u32 $0x4000, s31;
	s1 =	sadd.s32 s1, s30  }
0xbb: {  	s0 =	sor.u32 s3, s0;
	s1 =	sshll.u32 s1, $0x11  }
0xbc: {  	s0 =	sor.u32 s1, s0  }
0xbd: {  	s0 =	sadd.s32 $0x8F2B, s0  }
0xbe: {  	[sflag:s0] =	ssyncadd.remote.s32 $0x1  }
0xbf: {  	_ =	sfence.sel $0xFFFF  }
0xc0: {  	[dreg:$0x0] =	wrdreg $0xFFFFFFFF;
	(pc) =	sbr.abs _section_cstart, $3  }
0xc1: {  	[dreg:$0x1] =	wrdreg $0xFFFFFFFF  }
0xc2: {  	_ =	task.clear_ibuf [dreg:s7], $0x2FFFF;
	_ =	strace $0x9FFFFFFF  }
0xc3: {  	(tm) =	ssettm $0x7FFFFFFF  }
tec
execute0_lowered:
.L_overlay_start_1:
0x0: {  	(tag) =	ssettag $0x1  }
0x1: {  	s2 =	rddreg [dreg:$0x0]  }
0x2: {  	s0 =	rddreg [dreg:$0x1]  }
0x3: {  	s3 =	rddreg [dreg:$0x2];
	s11 =	stileid.u32  }
0x4: {  	s1 =	srdreg.scid;
	s4 =	simm.s32 $0x0;
	s17 =	simm.s32 $0x5  }
0x5: {  	s18 =	simm.s32 $0x6;
	s28 =	simm.s32 $0x2;
	s5 =	smul.u32 $0x14000, s11  }
0x6: {  	s29 =	simm.s32 $0x4;
	s30 =	simm.s32 $0x10;
	s10 =	smul.u32 $0x50000, s11  }
0x7: {  	s1 =	sand.u32 $0x1, s1;
	[smem:$0x7FF] =	sst s4;
	s23 =	smul.u32 $0x2710, s11  }
0x8: {  	s8 =	sadd.s32 $0x2800, s0;
	s6 =	smul.u32 $0x140000, s1;
	_ =	strace $0x8000004D  }
0x9: {  	s20 =	sshll.u32 s1, $0x4;
	s9 =	ssub.s32 $0x2, s1;
	s1 =	smul.u32 $0x27100, s1  }
0xa: {  	s7 =	sshrl.u32 s5, $0x3;
	s21 =	sshrl.u32 s9, $0x1;
	s22 =	sshrl.u32 s10, $0x2  }
0xb: {  	s5 =	sadd.s32 s5, s6;
	s19 =	sadd.s32 s7, s0;
	s7 =	sor.u32 s11, s20  }
0xc: {  	s16 =	sadd.s32 s22, s3;
	s1 =	sadd.s32 s23, s1;
	s20 =	simm.s32 $0x2900  }
0xd: {  	s22 =	simm.s32 $0x6900;
	s23 =	simm.s32 $0x2800;
	s5 =	sshrl.u32 s5, $0x3  }
0xe: {  	s7 =	smul.u32 $0x2710, s7;
	s6 =	sadd.s32 $0x16200, s19;
	s13 =	sadd.s32 $0x4E300, s1  }
0xf: {  	s1 =	sadd.s32 $0x4E380, s1;
	s16 =	sshrl.u32 s16, $0x3;
	s19 =	simm.s32 $0x80  }
0x10: {  	s0 =	sadd.s32 s5, s0;
	s5 =	ssub.s32 s9, s21;
	[dreg:$0x4] =	wrdreg s6  }
0x11: {  	s6 =	sshll.u32 s11, $0x6;
	s26 =	sshrl.u32 s13, $0x3;
	s31 =	sshrl.u32 s1, $0x3  }
0x12: {  	s21 =	simm.s32 $0x2780;
	s1 =	simm.s32 $0x0;
	s7 =	sshrl.u32 s7, $0x3  }
0x13: {  	s24 =	sor.u32 $0x1C05, s6;
	s12 =	sadd.s32 $0x3E200, s0;
	s13 =	smax.u32 s5, $0x1  }
0x14: {  	s14 =	sadd.s32 s26, s8;
	s15 =	sadd.s32 s31, s8;
	s26 =	simm.s32 $0x7  }
0x15: {  	s0 =	simm.s32 $0x2880;
	s7 =	sadd.s32 s8, s7;
	[dreg:$0x5] =	wrdreg s24  }
0x16: {  	s24 =	simm.s32 $0x1;
	s25 =	sadd.s32 $0x9C40, s7;
	s10 =	sadd.s32 $0x9C50, s7  }
0x17: {  	s11 =	sadd.s32 $0xA120, s7;
	[dreg:$0x6] =	wrdreg s25;
	s25 =	simm.s32 $0x3  }
.LBB2_1:
0x18: {  	s5 =	rddreg [dreg:$0x4]  }
0x19: {  	s8 =	rddreg [dreg:$0x5]  }
0x1a: {  	[spmem:s16], [sflag:s8] =	dma.local [hbm:s5], $0x2800  }
0x1b: {  	[tilespmem:s4], [sflag:$0x6] =	stream.linear.gather [hbm4b:s7+s4], $0x2710, $0x38;
	[tilespmem:$0x1E900] =	vst v63  }
0x1c: {  	_ =	swait.ge [sflag:s17], $0x2800  }
0x1d: {  	[sflag:s17] =	ssyncset.done $0x0  }
0x1e: {  	[sflag:s17] =	ssyncadd.s32 $0xFFFFD800  }
0x1f: {  	_ =	swait.ge [sflag:s18], $0x2710  }
0x20: {  	[sflag:s18] =	ssyncset.done $0x0  }
0x21: {  	[sflag:s18] =	ssyncadd.s32 $0xFFFFD8F0  }
0x22: {  	[bflag:$0x0] =	sbarrier.arrive $0xFFFF  }
0x23: {  	[tilespmem:s20], [sflag:$0x1] =	stream.indirect.gather [hbm4b:s2+s19], $0x80, s4, s19, $0xb8;
	[tilespmem:$0x1E900] =	vst v63  }
0x24: {  	s8 =	rddreg [dreg:$0x6]  }
0x25: {  	[tilespmem:s21], [sflag:$0x3] =	stream.linear.gather [hbm4b:s8+s4], $0x80, $0x38;
	[tilespmem:$0x1E900] =	vst v63  }
0x26: {  	_ = 	snop  }
0x27: {  	[tilespmem:s22], [sflag:$0x2] =	stream.indirect.gather [hbm4b:s2+s19], $0x80, s19, s19, $0xb8;
	[tilespmem:$0x1E900] =	vst v63  }
0x28: {  	_ = 	snop  }
0x29: {  	[tilespmem:s23], [sflag:$0x4] =	stream.linear.gather [hbm4b:s10+s4], $0x80, $0x38;
	[tilespmem:$0x1E900] =	vst v63  }
0x2a: {  	_ =	swait.ge [sflag:s24], $0x4000  }
0x2b: {  	[sflag:s24] =	ssyncset.done $0x0  }
0x2c: {  	[sflag:s24] =	ssyncadd.s32 $0xFFFFC000  }
0x2d: {  	_ =	swait.ge [sflag:s25], $0x80  }
0x2e: {  	[sflag:s25] =	ssyncset.done $0x0  }
0x2f: {  	[sflag:s25] =	ssyncadd.s32 $0xFFFFFF80  }
0x30: {  	[spmem:s3] =	stream.indirect.scatter.add.f32 [tilespmem:s20], [sflag:$0x7], $0x80, s21, s19, $0xb8;
	[tilespmem:$0x1E900] =	vst v63  }
0x31: {  	_ =	swait.ge [sflag:s26], $0x4000  }
0x32: {  	[sflag:s26] =	ssyncset.done $0x0  }
0x33: {  	s9 =	simm.s32 $0x100;
	[sflag:s26] =	ssyncadd.s32 $0xFFFFC000  }
0x34: {  	[tilespmem:s20], [sflag:$0x1] =	stream.indirect.gather [hbm4b:s2+s19], $0x80, s9, s19, $0xb8;
	[tilespmem:$0x1E900] =	vst v63  }
0x35: {  	s8 =	sadd.s32 $0x0, s14  }
0x36: {  	[tilespmem:s21], [sflag:$0x3] =	stream.linear.gather [hbm4b:s8+s4], $0x80, $0x38;
	[tilespmem:$0x1E900] =	vst v63  }
0x37: {  	_ =	swait.ge [sflag:s28], $0x4000  }
0x38: {  	[sflag:s28] =	ssyncset.done $0x0  }
0x39: {  	[sflag:s28] =	ssyncadd.s32 $0xFFFFC000  }
0x3a: {  	_ =	swait.ge [sflag:s29], $0x80  }
0x3b: {  	[sflag:s29] =	ssyncset.done $0x0  }
0x3c: {  	[sflag:s29] =	ssyncadd.s32 $0xFFFFFF80  }
0x3d: {  	[spmem:s3] =	stream.indirect.scatter.add.f32 [tilespmem:s22], [sflag:$0x7], $0x80, s23, s19, $0xb8;
	[tilespmem:$0x1E900] =	vst v63  }
0x3e: {  	_ =	swait.ge [sflag:s26], $0x4000  }
0x3f: {  	s31 =	simm.s32 $0x20;
	s5 =	simm.s32 $0x200;
	[sflag:s26] =	ssyncset.done $0x0  }
0x40: {  	s9 =	simm.s32 $0x180;
	s8 =	sadd.s32 $0x0, s15;
	[sflag:s26] =	ssyncadd.s32 $0xFFFFC000  }
0x41: {  	[tilespmem:s22], [sflag:$0x2] =	stream.indirect.gather [hbm4b:s2+s19], $0x80, s9, s19, $0xb8;
	[tilespmem:$0x1E900] =	vst v63  }
.LBB2_2:
0x42: {  	[tilespmem:s23], [sflag:$0x4] =	stream.linear.gather [hbm4b:s8+s4], $0x80, $0x38;
	[tilespmem:$0x1E900] =	vst v63  }
0x43: {  	s8 =	smov.u32 s31  }
0x44: {  	p0 =	sne.s32 s31, $0x4A0;
	s31 =	sadd.s32 $0x20, s31;
	_ =	swait.ge [sflag:s24], $0x4000  }
0x45: {  	[sflag:s24] =	ssyncset.done $0x0  }
0x46: {  	[sflag:s24] =	ssyncadd.s32 $0xFFFFC000  }
0x47: {  	_ =	swait.ge [sflag:s25], $0x80  }
0x48: {  	[sflag:s25] =	ssyncset.done $0x0  }
0x49: {  	[sflag:s25] =	ssyncadd.s32 $0xFFFFFF80  }
0x4a: {  	[spmem:s3] =	stream.indirect.scatter.add.f32 [tilespmem:s20], [sflag:$0x7], $0x80, s21, s19, $0xb8;
	[tilespmem:$0x1E900] =	vst v63  }
0x4b: {  	_ =	swait.ge [sflag:s26], $0x4000  }
0x4c: {  	[sflag:s26] =	ssyncset.done $0x0  }
0x4d: {  	[sflag:s26] =	ssyncadd.s32 $0xFFFFC000  }
0x4e: {  	[tilespmem:s20], [sflag:$0x1] =	stream.indirect.gather [hbm4b:s2+s19], $0x80, s5, s19, $0xb8;
	[tilespmem:$0x1E900] =	vst v63  }
0x4f: {  	s9 =	sadd.s32 s8, s14  }
0x50: {  	[tilespmem:s21], [sflag:$0x3] =	stream.linear.gather [hbm4b:s9+s4], $0x80, $0x38;
	[tilespmem:$0x1E900] =	vst v63  }
0x51: {  	_ =	swait.ge [sflag:s28], $0x4000  }
0x52: {  	[sflag:s28] =	ssyncset.done $0x0  }
0x53: {  	[sflag:s28] =	ssyncadd.s32 $0xFFFFC000  }
0x54: {  	_ =	swait.ge [sflag:s29], $0x80  }
0x55: {  	[sflag:s29] =	ssyncset.done $0x0  }
0x56: {  	[sflag:s29] =	ssyncadd.s32 $0xFFFFFF80  }
0x57: {  	[spmem:s3] =	stream.indirect.scatter.add.f32 [tilespmem:s22], [sflag:$0x7], $0x80, s23, s19, $0xb8;
	[tilespmem:$0x1E900] =	vst v63  }
.Ltmp0:
0x58: {  	_ =	swait.ge [sflag:s26], $0x4000;
	(pc) =	sbr.rel @p0 .LBB2_2-.Ltmp0, $4  }
0x59: {  	[sflag:s26] =	ssyncset.done $0x0  }
0x5a: {  	s9 =	sadd.s32 $0x80, s5;
	[sflag:s26] =	ssyncadd.s32 $0xFFFFC000  }
0x5b: {  	[tilespmem:s22], [sflag:$0x2] =	stream.indirect.gather [hbm4b:s2+s19], $0x80, s9, s19, $0xb8;
	[tilespmem:$0x1E900] =	vst v63  }
0x5c: {  	s8 =	sadd.s32 s8, s15;
	s5 =	sadd.s32 $0x100, s5  }
0x5d: {  	[tilespmem:s23], [sflag:$0x4] =	stream.linear.gather [hbm4b:s8+s4], $0x80, $0x38;
	[tilespmem:$0x1E900] =	vst v63  }
0x5e: {  	_ =	swait.ge [sflag:s24], $0x4000  }
0x5f: {  	[sflag:s24] =	ssyncset.done $0x0  }
0x60: {  	[sflag:s24] =	ssyncadd.s32 $0xFFFFC000  }
0x61: {  	_ =	swait.ge [sflag:s25], $0x80  }
0x62: {  	[sflag:s25] =	ssyncset.done $0x0  }
0x63: {  	[sflag:s25] =	ssyncadd.s32 $0xFFFFFF80  }
0x64: {  	[spmem:s3] =	stream.indirect.scatter.add.f32 [tilespmem:s20], [sflag:$0x7], $0x80, s21, s19, $0xb8;
	[tilespmem:$0x1E900] =	vst v63  }
0x65: {  	_ =	swait.ge [sflag:s26], $0x4000  }
0x66: {  	[sflag:s26] =	ssyncset.done $0x0  }
0x67: {  	[sflag:s26] =	ssyncadd.s32 $0xFFFFC000  }
0x68: {  	_ =	swait.ge [sflag:s28], $0x4000  }
0x69: {  	[sflag:s28] =	ssyncset.done $0x0  }
0x6a: {  	[sflag:s28] =	ssyncadd.s32 $0xFFFFC000  }
0x6b: {  	_ =	swait.ge [sflag:s29], $0x80  }
0x6c: {  	[sflag:s29] =	ssyncset.done $0x0  }
0x6d: {  	[sflag:s29] =	ssyncadd.s32 $0xFFFFFF80  }
0x6e: {  	[spmem:s3] =	stream.indirect.scatter.add.f32 [tilespmem:s22], [sflag:$0x7], $0x80, s23, s19, $0xb8;
	[tilespmem:$0x1E900] =	vst v63  }
0x6f: {  	_ =	swait.ge [sflag:s26], $0x4000  }
0x70: {  	[sflag:s26] =	ssyncset.done $0x0  }
0x71: {  	s5 =	simm.s32 $0x2700;
	[sflag:s26] =	ssyncadd.s32 $0xFFFFC000  }
0x72: {  	[tilespmem:s20], [sflag:$0x1] =	stream.indirect.gather [hbm4b:s2+s30], $0x80, s5, s30, $0xb8;
	[tilespmem:$0x1E900] =	vst v63  }
0x73: {  	_ = 	snop  }
0x74: {  	[tilespmem:s0], [sflag:$0x7] =	stream.linear.gather [hbm4b:s11+s4], $0x10, $0x38;
	[tilespmem:$0x1E900] =	vst v63  }
0x75: {  	_ =	swait.ge [sflag:s26], $0x10  }
0x76: {  	[sflag:s26] =	ssyncset.done $0x0  }
0x77: {  	[sflag:s26] =	ssyncadd.s32 $0xFFFFFFF0  }
0x78: {  	_ =	swait.ge [sflag:s24], $0x800  }
0x79: {  	[sflag:s24] =	ssyncset.done $0x0  }
0x7a: {  	[sflag:s24] =	ssyncadd.s32 $0xFFFFF800  }
0x7b: {  	[spmem:s3] =	stream.indirect.scatter.add.f32 [tilespmem:s20], [sflag:$0x7], $0x80, s0, s30, $0xb8;
	[tilespmem:$0x1E900] =	vst v63  }
0x7c: {  	_ =	swait.ge [sflag:s26], $0x800  }
0x7d: {  	s1 =	sadd.s32 $0x1, s1;
	[sflag:s26] =	ssyncset.done $0x0  }
0x7e: {  	p0 =	sne.s32 s1, s13;
	[sflag:s26] =	ssyncadd.s32 $0xFFFFF800  }
.Ltmp1:
0x7f: {  	s31 =	sor.u32 $0x1C07, s6;
	[bflag:$0x0] =	sbarrier.arrive $0xFFFF;
	(pc) =	sbr.rel @p0 .LBB2_1-.Ltmp1, $4  }
0x80: {  	[hbm:s12], [sflag:s31] =	dma.local [spmem:s16], $0x2800  }
0x81: {  	_ =	swait.ge [sflag:s26], $0x2800  }
0x82: {  	[sflag:s26] =	ssyncset.done $0x0  }
0x83: {  	[sflag:s26] =	ssyncadd.s32 $0xFFFFD800  }
0x84: {  	_ =	sfence.sel $0x180000  }
0x85: {  	[bflag:$0x0] =	sbarrier.arrive $0xFFFF  }
0x86: {  	_ =	strace $0x9000004D  }
0x87: {  	s0 =	stileid.u32;
	[bflag:$0x2] =	sbarrier.arrive $0xFFFF  }
0x88: {  	p0 =	sne.s32 s0, $0x0;
	s0 =	rddreg [dreg:$0x3]  }
0x89: {  	s0 =	sadd.s32 @!p0 $0x100000, s0  }
0x8a: {  	[sflag:s0] =	ssyncadd.tile.s32 @!p0 $0x1;
	_ =	shalt  }
.Lfunc_end2:
_tile_overlayer_lowered:
.L_overlay_start_2:
0x8b: {  	(tag) =	ssettag $0x2  }
0x8c: {  	s0 =	rddreg [dreg:$0x0];
	s2 =	stileid.u32  }
0x8d: {  	s1 =	rddreg [dreg:$0x1];
	p0 =	sne.s32 s2, $0x0  }
0x8e: {  	s3 =	rddreg [dreg:$0x2];
	[bflag:$0x3] =	sbarrier.arrive $0xFFFF;
	s2 =	simm.s32 @!p0 $0x1C07  }
0x8f: {  	[timem:s3], [sflag:s2] =	dma.local @!p0 [hbm:s0], s1  }
0x90: {  	s0 =	simm.s32 @!p0 $0x7  }
0x91: {  	_ =	swait.ge @!p0 [sflag:s0], s1  }
0x92: {  	s1 =	ssub.s32 @!p0 $0x0, s1;
	[sflag:s0] =	ssyncset.done @!p0 $0x0  }
0x93: {  	[sflag:s0] =	ssyncadd.s32 @!p0 s1  }
0x94: {  	[bflag:$0x3] =	sbarrier.arrive $0xFFFF  }
0x95: {  	_ =	shalt  }

// kernel: kernel.8.cloned.1.call-start
scs
__scs_entry_jumppad:
0x0: {  	(pc) =	sbr.rel $0x88, $3  }
0x1: {  	(tag) =	ssettag $0x0;
	lr =	simm.s32 $0x1  }
0x2: {  	[smem:$0x3F9B] =	sst lr;
	_ =	strace $0xD0000000  }
0x3: {  	_ = 	snop  }
0x4: {  	_ = 	snop  }
0x5: {  	_ = 	snop  }
0x6: {  	_ = 	snop  }
0x7: {  	_ = 	snop  }
__scs_overlays_trampoline_lowered:
0x8: {  	[smem:$0x3FAA] =	sst s0  }
0x9: {  	[smem:$0x3FAB] =	sst s1  }
0xa: {  	[smem:$0x3FAC] =	sst s2  }
0xb: {  	[smem:$0x3FAD] =	sst s3  }
0xc: {  	[smem:$0x3FAE] =	sst s4  }
0xd: {  	[smem:$0x3FAF] =	sst s5  }
0xe: {  	[smem:$0x3FB0] =	sst s6  }
0xf: {  	[smem:$0x3FB1] =	sst s7  }
0x10: {  	[smem:$0x3FB2] =	sst s8  }
0x11: {  	[smem:$0x3FB3] =	sst s9;
	s0 =	simm.s32 @!p0 $0x0  }
0x12: {  	s1 =	sld [smem:$0x3F99];
	s0 =	simm.s32 @p0 $0x1  }
0x13: {  	[smem:$0x3FB4] =	sst s0;
	s0 =	simm.s32 @!p1 $0x0  }
0x14: {  	s2 =	sld [smem:$0x3F98];
	s0 =	simm.s32 @p1 $0x1  }
0x15: {  	[smem:$0x3FB5] =	sst s0;
	s0 =	simm.s32 @!p2 $0x0  }
0x16: {  	s3 =	sld [smem:$0x3FDB];
	s0 =	simm.s32 @p2 $0x1  }
0x17: {  	s4 =	simm.s32 $0x1BF5;
	[smem:$0x3FB7] =	sst s0  }
0x18: {  	s0 =	sld [smem:$0x3F9A];
	_ =	swait.ge [sflag:s4], $0x0  }
0x19: {  	s7 =	sld [smem:$0x3F9B]  }
0x1a: {  	s8 =	sadd.s32 $0xFFFFE003, lr  }
0x1b: {  	s9 =	sadd.s32 $0xFFFFFEF7, lr;
	s5 =	simm.s32 $0xFFFFFFFF;
	p2 =	slt.u32 s8, $0xFFFFF086  }
0x1c: {  	p1 =	slt.u32 s9, $0xF7A;
	s5 =	simm.s32 @!p2 $0x0  }
0x1d: {  	s5 =	simm.s32 @p1 $0x1;
	p0 =	seq.s32 s7, s2  }
0x1e: {  	s7 =	smul.u32 @!p0 $0xF7A, s2;
	p2 =	seq.s32 @!p0 s5, $0x0  }
0x1f: {  	s9 =	smul.u32 $0xF7A, s1;
	s8 =	simm.s32 @!p0 $0x1BF5;
	p2 =	por !p2, p0  }
0x20: {  	[sflag:s8] =	ssyncset.s32 @!p0 $0xFFFFF086;
	s6 =	sadd.s32 @!p0 s3, s7;
	s7 =	simm.s32 @!p0 $0x108  }
0x21: {  	s3 =	sadd.s32 s3, s9;
	s6 =	sadd.s32 @!p0 $0x88, s6;
	s7 =	simm.s32 @p2 $0x1082  }
0x22: {  	[simem:s7], [sflag:s8] =	dma.local @!p0 [hbm:s6], $0xF7A  }
0x23: {  	s9 =	sor.u32 $0xD0000000, s2;
	s6 =	simm.s32 $0x108;
	_ =	swait.ge @!p0 [sflag:s8], $0x0  }
0x24: {  	s3 =	sadd.s32 $0x88, s3;
	s6 =	simm.s32 @!p1 $0x1082;
	[sflag:s4] =	ssyncset.s32 $0xFFFFF086  }
0x25: {  	[simem:s6], [sflag:s4] =	dma.local [hbm:s3], $0xF7A  }
0x26: {  	[smem:$0x3F9B] =	sst s1;
	(tag) =	ssettag s2;
	_ =	strace s9  }
0x27: {  	s1 =	sld [smem:$0x3FAB]  }
0x28: {  	s2 =	sld [smem:$0x3FAC]  }
0x29: {  	s4 =	sld [smem:$0x3FAE]  }
0x2a: {  	p0 =	seq.s32 s5, $0x0;
	s5 =	sld [smem:$0x3FAF]  }
0x2b: {  	s6 =	sld [smem:$0x3FB0]  }
0x2c: {  	s7 =	sld [smem:$0x3FB1]  }
0x2d: {  	s3 =	simm.s32 $0x108;
	s8 =	sld [smem:$0x3FB2]  }
0x2e: {  	s3 =	simm.s32 @!p0 $0x1082;
	s9 =	sld [smem:$0x3FB3]  }
0x2f: {  	lr =	sadd.s32 s0, s3;
	s0 =	sld [smem:$0x3FAA]  }
0x30: {  	s3 =	sld [smem:$0x3FAD]  }
0x31: {  	[smem:$0x3FB6] =	sst s10  }
0x32: {  	s10 =	sld [smem:$0x3FB4];
	_ =	sdelay $0x3  }
0x33: {  	p0 =	seq.s32 s10, $0x1;
	s10 =	sld [smem:$0x3FB6];
	_ =	sdelay $0x3  }
0x34: {  	[smem:$0x3FB6] =	sst s10  }
0x35: {  	s10 =	sld [smem:$0x3FB5];
	_ =	sdelay $0x3  }
0x36: {  	p1 =	seq.s32 s10, $0x1;
	s10 =	sld [smem:$0x3FB6];
	_ =	sdelay $0x3  }
0x37: {  	[smem:$0x3FB6] =	sst s10  }
0x38: {  	s10 =	sld [smem:$0x3FB7]  }
0x39: {  	_ = 	snop;
	(pc) =	sbr.ind lr, $3  }
0x3a: {  	_ = 	snop  }
0x3b: {  	_ = 	snop  }
0x3c: {  	p2 =	seq.s32 s10, $0x1;
	s10 =	sld [smem:$0x3FB6]  }
0x3d: {  	_ =	shalt  }
0x3e: {  	_ =	shalt  }
0x3f: {  	_ =	shalt  }
0x40: {  	_ =	shalt  }
0x41: {  	_ =	shalt  }
0x42: {  	_ =	shalt  }
0x43: {  	_ =	shalt  }
0x44: {  	_ =	shalt  }
0x45: {  	_ =	shalt  }
0x46: {  	_ =	shalt  }
0x47: {  	_ =	shalt  }
0x48: {  	_ =	shalt  }
0x49: {  	_ =	shalt  }
0x4a: {  	_ =	shalt  }
0x4b: {  	_ =	shalt  }
0x4c: {  	_ =	shalt  }
0x4d: {  	_ =	shalt  }
0x4e: {  	_ =	shalt  }
0x4f: {  	_ =	shalt  }
0x50: {  	_ =	shalt  }
0x51: {  	_ =	shalt  }
0x52: {  	_ =	shalt  }
0x53: {  	_ =	shalt  }
0x54: {  	_ =	shalt  }
0x55: {  	_ =	shalt  }
0x56: {  	_ =	shalt  }
0x57: {  	_ =	shalt  }
0x58: {  	_ =	shalt  }
0x59: {  	_ =	shalt  }
0x5a: {  	_ =	shalt  }
0x5b: {  	_ =	shalt  }
0x5c: {  	_ =	shalt  }
0x5d: {  	_ =	shalt  }
0x5e: {  	_ =	shalt  }
0x5f: {  	_ =	shalt  }
0x60: {  	_ =	shalt  }
0x61: {  	_ =	shalt  }
0x62: {  	_ =	shalt  }
0x63: {  	_ =	shalt  }
0x64: {  	_ =	shalt  }
0x65: {  	_ =	shalt  }
0x66: {  	_ =	shalt  }
0x67: {  	_ =	shalt  }
0x68: {  	_ =	shalt  }
0x69: {  	_ =	shalt  }
0x6a: {  	_ =	shalt  }
0x6b: {  	_ =	shalt  }
0x6c: {  	_ =	shalt  }
0x6d: {  	_ =	shalt  }
0x6e: {  	_ =	shalt  }
0x6f: {  	_ =	shalt  }
0x70: {  	_ =	shalt  }
0x71: {  	_ =	shalt  }
0x72: {  	_ =	shalt  }
0x73: {  	_ =	shalt  }
0x74: {  	_ =	shalt  }
0x75: {  	_ =	shalt  }
0x76: {  	_ =	shalt  }
0x77: {  	_ =	shalt  }
0x78: {  	_ =	shalt  }
0x79: {  	_ =	shalt  }
0x7a: {  	_ =	shalt  }
0x7b: {  	_ =	shalt  }
0x7c: {  	_ =	shalt  }
0x7d: {  	_ =	shalt  }
0x7e: {  	_ =	shalt  }
0x7f: {  	_ =	shalt  }
0x80: {  	_ =	shalt  }
0x81: {  	_ =	shalt  }
0x82: {  	_ =	shalt  }
0x83: {  	_ =	shalt  }
0x84: {  	_ =	shalt  }
0x85: {  	_ =	shalt  }
0x86: {  	_ =	shalt  }
0x87: {  	_ =	shalt  }
.Lfunc_end0:
.L_simem_size_0:
called_computation_lowered:
.L_overlay_start_0:
0x88: {  	s2 =	sld [smem:$0x3FD9]  }
0x89: {  	s3 =	sld [smem:$0x3FFE];
	_ =	sdelay $0x1  }
0x8a: {  	s1 =	srdreg.scid  }
0x8b: {  	s0 =	sand.u32 $0x1, s1  }
0x8c: {  	s17 =	sshll.u32 s0, $0xA;
	s2 =	sadd.s32 s3, s2  }
0x8d: {  	s2 =	sadd.s32 s2, s17  }
0x8e: {  	[smem:$0x3FC2] =	sst s2  }
0x8f: {  	_ = 	snop  }
0x90: {  	s2 =	sld [smem:$0x3FD0];
	(tm) =	ssettm $0x1  }
0x91: {  	s18 =	sld [smem:$0x3FFB];
	_ =	sdelay $0x3  }
0x92: {  	_ =	strace s18  }
0x93: {  	s3 =	sld [smem:$0x3FFC];
	_ =	sdelay $0x3  }
0x94: {  	_ =	strace s3  }
0x95: {  	s3 =	sld [smem:$0x3FFD];
	_ =	sdelay $0x3  }
0x96: {  	_ =	strace s3  }
0x97: {  	_ =	strace $0x8FFFFFFF  }
0x98: {  	s19 =	sld [smem:$0x3FDB];
	_ =	sdelay $0x1  }
0x99: {  	s4 =	simm.s32 $_scs_section_size  }
0x9a: {  	s5 =	simm.s32 $_size__tile_overlayer_lowered;
	s6 =	simm.s32 $_tile_overlayer_lowered  }
0x9b: {  	s22 =	simm.s32 $0x1BFF;
	s21 =	sshll.u32 s6, $0x1;
	s3 =	sadd.s32 s4, s19  }
0x9c: {  	s7 =	simm.s32 $0x0;
	s20 =	sshll.u32 s5, $0x1;
	s5 =	sadd.s32 s21, s3  }
0x9d: {  	[timem:s7], [sflag:s22] =	dma.local [hbm:s5], s20  }
0x9e: {  	_ =	swait.ge [sflag:s22], s20  }
0x9f: {  	s4 =	ssub.s32 $0x0, s20;
	[sflag:s22] =	ssyncset.done $0x0  }
0xa0: {  	[sflag:s22] =	ssyncadd.s32 s4;
	_ =	sdelay $0x1  }
0xa1: {  	s23 =	simm.s32 $0x1B8B  }
0xa2: {  	_ =	swait.ge [sflag:s23], $0x1  }
0xa3: {  	[sflag:s23] =	ssyncset.done $0x0  }
0xa4: {  	s25 =	simm.s32 $0x1B8E;
	s24 =	sld [smem:$0x3FFE];
	[sflag:s23] =	ssyncadd.s32 $0xFFFFFFFF  }
0xa5: {  	s26 =	simm.s32 $execute0_lowered;
	[smem:$0x3FD2] =	sst s25  }
0xa6: {  	s5 =	sshll.u32 s26, $0x1;
	_ =	strace $0x80000046;
	[dreg:$0x1] =	wrdreg $0xFFFFFFFF  }
0xa7: {  	s28 =	simm.s32 $_size_execute0_lowered;
	s3 =	sadd.s32 s3, s5;
	[dreg:$0x0] =	wrdreg $0x0  }
0xa8: {  	s5 =	sshll.u32 s28, $0x1;
	[dreg:$0x2] =	wrdreg s3  }
0xa9: {  	[dreg:$0x3] =	wrdreg s5  }
0xaa: {  	[dreg:$0x4] =	wrdreg $0xC0  }
0xab: {  	_ =	task [dreg:s7], $0x5FFFF  }
0xac: {  	[dreg:$0x1] =	wrdreg $0xFFFFFFFF  }
0xad: {  	[dreg:$0x0] =	wrdreg $0x60  }
0xae: {  	[dreg:$0x2] =	wrdreg s24  }
0xaf: {  	[dreg:$0x3] =	wrdreg s2  }
0xb0: {  	[dreg:$0x4] =	wrdreg $0x5800  }
0xb1: {  	[dreg:$0x5] =	wrdreg $0x9  }
0xb2: {  	_ =	task.clear_ibuf [dreg:s7], $0x6FFFF;
	_ =	strace $0x90000046  }
0xb3: {  	s29 =	simm.s32 $0x9;
	_ =	strace $0x80000048  }
0xb4: {  	_ =	swait.ge [sflag:s29], $0x1  }
0xb5: {  	[sflag:s29] =	ssyncadd.s32 $0xFFFFFFFF  }
0xb6: {  	_ =	strace $0x90000048  }
0xb7: {  	_ =	sfence  }
0xb8: {  	s30 =	sld [smem:$0x0];
	_ =	sdelay $0x2  }
0xb9: {  	s31 =	sshll.u32 s1, $0xD;
	s1 =	sshrl.u32 s1, $0x2  }
0xba: {  	s3 =	sand.u32 $0x4000, s31;
	s1 =	sadd.s32 s1, s30  }
0xbb: {  	s0 =	sor.u32 s3, s0;
	s1 =	sshll.u32 s1, $0x11  }
0xbc: {  	s0 =	sor.u32 s1, s0  }
0xbd: {  	s0 =	sadd.s32 $0x8F2B, s0  }
0xbe: {  	[sflag:s0] =	ssyncadd.remote.s32 $0x1  }
0xbf: {  	_ =	sfence.sel $0xFFFF  }
0xc0: {  	[dreg:$0x0] =	wrdreg $0xFFFFFFFF;
	(pc) =	sbr.abs _section_cstart, $3  }
0xc1: {  	[dreg:$0x1] =	wrdreg $0xFFFFFFFF  }
0xc2: {  	_ =	task.clear_ibuf [dreg:s7], $0x2FFFF;
	_ =	strace $0x9FFFFFFF  }
0xc3: {  	(tm) =	ssettm $0x7FFFFFFF  }
tec
execute0_lowered:
.L_overlay_start_1:
0x0: {  	(tag) =	ssettag $0x1  }
0x1: {  	s4 =	rddreg [dreg:$0x0]  }
0x2: {  	s0 =	srdreg.scid;
	s11 =	rddreg [dreg:$0x1]  }
0x3: {  	s28 =	stileid.u32;
	s2 =	rddreg [dreg:$0x2];
	s3 =	simm.s32 $0x0  }
0x4: {  	s17 =	simm.s32 $0x80;
	s18 =	simm.s32 $0x100;
	s19 =	simm.s32 $0x180  }
0x5: {  	s20 =	simm.s32 $0x300;
	s21 =	simm.s32 $0x5;
	s22 =	simm.s32 $0x1  }
0x6: {  	s23 =	simm.s32 $0x280;
	s24 =	simm.s32 $0x3;
	s7 =	smul.u32 $0x4E20, s28  }
0x7: {  	s25 =	simm.s32 $0x4;
	s6 =	sand.u32 $0x1, s0;
	s9 =	smul.u32 $0x280, s28  }
0x8: {  	s26 =	simm.s32 $0x200;
	s29 =	simm.s32 $0x0;
	s5 =	smul.u32 $0x4E200, s6  }
0x9: {  	[smem:$0x7FF] =	sst s3;
	s30 =	ssub.s32 $0x2, s6;
	s10 =	smul.u32 $0x2800, s6  }
0xa: {  	s4 =	sadd.s32 $0x2800, s4;
	_ =	strace $0x80000047;
	s8 =	sshrl.u32 s30, $0x1  }
0xb: {  	s16 =	sadd.s32 s7, s5;
	s12 =	ssub.s32 s30, s8;
	s13 =	sadd.s32 s9, s10  }
0xc: {  	s9 =	sadd.s32 s9, s2;
	s5 =	sshrl.u32 s16, $0x3;
	s13 =	sshrl.u32 s13, $0x3  }
0xd: {  	s12 =	smax.u32 s12, $0x1;
	s31 =	sadd.s32 $0x380, s16;
	s14 =	sadd.s32 $0x300, s16  }
.Ltmp0:
0xe: {  	s15 =	sadd.s32 $0x280, s16;
	s16 =	sadd.s32 $0x200, s16;
	(pc) =	sbr.rel .LBB2_1-.Ltmp0, $4  }
0xf: {  	s5 =	sadd.s32 s4, s5;
	s11 =	sadd.s32 s11, s13;
	s13 =	sshrl.u32 s31, $0x3  }
0x10: {  	s14 =	sshrl.u32 s14, $0x3;
	s15 =	sshrl.u32 s15, $0x3;
	s6 =	sadd.s32 $0x10, s5  }
0x11: {  	s7 =	sadd.s32 $0x20, s5;
	s8 =	sadd.s32 $0x30, s5;
	s10 =	sadd.s32 $0x9C0, s5  }
0x12: {  	v0 =	vimm.f32 $1.000000000e+00;
	v1 =	vimm.f32 $0.0e+00;
	s13 =	sadd.s32 s13, s4;
	s14 =	sadd.s32 s14, s4;
	s15 =	sadd.s32 s15, s4  }
.LBB2_4:
0x13: {  	_ =	swait.ge [sflag:s25], $0x80  }
0x14: {  	[sflag:s25] =	ssyncset.done $0x0  }
0x15: {  	[sflag:s25] =	ssyncadd.s32 $0xFFFFFF80  }
0x16: {  	[spmem:s2] =	stream.indirect.scatter.add.f32 [tilespmem:s23], [sflag:$0x5], $0x1, s19, s17, $0xb8;
	[tilespmem:$0x800] =	vst v63  }
0x17: {  	_ =	swait.ge [sflag:s21], $0x80  }
0x18: {  	[sflag:s21] =	ssyncset.done $0x0  }
0x19: {  	[sflag:s21] =	ssyncadd.s32 $0xFFFFFF80  }
0x1a: {  	[tilespmem:s26], [sflag:$0x5] =	stream.linear.gather [hbm4b:s10+s3], $0x20, $0x38;
	[tilespmem:$0x800] =	vst v63  }
0x1b: {  	_ =	swait.ge [sflag:s21], $0x20  }
0x1c: {  	[sflag:s21] =	ssyncset.done $0x0  }
0x1d: {  	s0 =	simm.s32 $0x20;
	[sflag:s21] =	ssyncadd.s32 $0xFFFFFFE0  }
0x1e: {  	[spmem:s2] =	stream.indirect.scatter.add.f32 [tilespmem:s23], [sflag:$0x5], $0x1, s26, s0, $0xb8;
	[tilespmem:$0x800] =	vst v63  }
0x1f: {  	_ =	swait.ge [sflag:s21], $0x20  }
0x20: {  	[sflag:s21] =	ssyncset.done $0x0  }
0x21: {  	[sflag:s21] =	ssyncadd.s32 $0xFFFFFFE0  }
0x22: {  	[bflag:$0x0] =	sbarrier.arrive $0xFFFF  }
0x23: {  	[tilespmem:s20], [sflag:$0x5] =	stream.linear.gather [spmem:s9], $0x280, $0x38;
	[tilespmem:$0x800] =	vst v63  }
0x24: {  	s29 =	sadd.s32 $0x1, s29;
	_ =	swait.ge [sflag:s21], $0x280  }
0x25: {  	p0 =	sne.s32 s29, s12;
	[sflag:s21] =	ssyncset.done $0x0  }
.Ltmp1:
0x26: {  	[sflag:s21] =	ssyncadd.s32 $0xFFFFFD80;
	(pc) =	sbr.rel @!p0 .LBB2_5-.Ltmp1, $4  }
0x27: {  	[hbm4b:s11+s3] =	stream.linear.scatter [tilespmem:s20], [sflag:$0x5], $0x280, $0x38;
	[tilespmem:$0x800] =	vst v63  }
0x28: {  	_ =	swait.ge [sflag:s21], $0x280  }
0x29: {  	[sflag:s21] =	ssyncset.done $0x0  }
0x2a: {  	[sflag:s21] =	ssyncadd.s32 $0xFFFFFD80  }
.LBB2_1:
0x2b: {  	[tilespmem:s3], [sflag:$0x1] =	stream.linear.gather [hbm4b:s5+s3], $0x80, $0x38;
	[tilespmem:$0x800] =	vst v63  }
0x2c: {  	_ = 	snop  }
0x2d: {  	[tilespmem:s17], [sflag:$0x2] =	stream.linear.gather [hbm4b:s6+s3], $0x80, $0x38;
	[tilespmem:$0x800] =	vst v63  }
0x2e: {  	_ = 	snop  }
0x2f: {  	[tilespmem:s18], [sflag:$0x3] =	stream.linear.gather [hbm4b:s7+s3], $0x80, $0x38;
	[tilespmem:$0x800] =	vst v63  }
0x30: {  	_ = 	snop  }
0x31: {  	[tilespmem:s19], [sflag:$0x4] =	stream.linear.gather [hbm4b:s8+s3], $0x80, $0x38;
	[tilespmem:$0x800] =	vst v63  }
0x32: {  	[tilespmem:$0x280] =	vst v0  }
0x33: {  	[tilespmem:$0x290] =	vst v0  }
0x34: {  	[tilespmem:$0x2A0] =	vst v0  }
0x35: {  	[tilespmem:$0x2B0] =	vst v0  }
0x36: {  	[tilespmem:$0x2C0] =	vst v0  }
0x37: {  	[tilespmem:$0x2D0] =	vst v0  }
0x38: {  	[tilespmem:$0x2E0] =	vst v0  }
0x39: {  	[tilespmem:$0x2F0] =	vst v0  }
0x3a: {  	[tilespmem:$0x300] =	vst v1  }
0x3b: {  	[tilespmem:$0x310] =	vst v1  }
0x3c: {  	[tilespmem:$0x320] =	vst v1  }
0x3d: {  	[tilespmem:$0x330] =	vst v1  }
0x3e: {  	[tilespmem:$0x340] =	vst v1  }
0x3f: {  	[tilespmem:$0x350] =	vst v1  }
0x40: {  	[tilespmem:$0x360] =	vst v1  }
0x41: {  	[tilespmem:$0x370] =	vst v1  }
0x42: {  	[tilespmem:$0x380] =	vst v1  }
0x43: {  	[tilespmem:$0x390] =	vst v1  }
0x44: {  	[tilespmem:$0x3A0] =	vst v1  }
0x45: {  	[tilespmem:$0x3B0] =	vst v1  }
0x46: {  	[tilespmem:$0x3C0] =	vst v1  }
0x47: {  	[tilespmem:$0x3D0] =	vst v1  }
0x48: {  	[tilespmem:$0x3E0] =	vst v1  }
0x49: {  	[tilespmem:$0x3F0] =	vst v1  }
0x4a: {  	[tilespmem:$0x400] =	vst v1  }
0x4b: {  	[tilespmem:$0x410] =	vst v1  }
0x4c: {  	[tilespmem:$0x420] =	vst v1  }
0x4d: {  	[tilespmem:$0x430] =	vst v1  }
0x4e: {  	[tilespmem:$0x440] =	vst v1  }
0x4f: {  	[tilespmem:$0x450] =	vst v1  }
0x50: {  	[tilespmem:$0x460] =	vst v1  }
0x51: {  	[tilespmem:$0x470] =	vst v1  }
0x52: {  	[tilespmem:$0x480] =	vst v1  }
0x53: {  	[tilespmem:$0x490] =	vst v1  }
0x54: {  	[tilespmem:$0x4A0] =	vst v1  }
0x55: {  	[tilespmem:$0x4B0] =	vst v1  }
0x56: {  	[tilespmem:$0x4C0] =	vst v1  }
0x57: {  	[tilespmem:$0x4D0] =	vst v1  }
0x58: {  	[tilespmem:$0x4E0] =	vst v1  }
0x59: {  	[tilespmem:$0x4F0] =	vst v1  }
0x5a: {  	[tilespmem:$0x500] =	vst v1  }
0x5b: {  	[tilespmem:$0x510] =	vst v1  }
0x5c: {  	[tilespmem:$0x520] =	vst v1  }
0x5d: {  	[tilespmem:$0x530] =	vst v1  }
0x5e: {  	[tilespmem:$0x540] =	vst v1  }
0x5f: {  	[tilespmem:$0x550] =	vst v1  }
0x60: {  	[tilespmem:$0x560] =	vst v1  }
0x61: {  	[tilespmem:$0x570] =	vst v1  }
0x62: {  	[spmem:s9] =	stream.linear.scatter [tilespmem:s20], [sflag:$0x5], $0x280, $0x38;
	[tilespmem:$0x800] =	vst v63  }
0x63: {  	_ =	swait.ge [sflag:s21], $0x280  }
0x64: {  	[sflag:s21] =	ssyncset.done $0x0  }
0x65: {  	[sflag:s21] =	ssyncadd.s32 $0xFFFFFD80  }
0x66: {  	s30 =	smov.u32 s16;
	s31 =	simm.s32 $0x0;
	[bflag:$0x0] =	sbarrier.arrive $0xFFFF  }
.LBB2_2:
0x67: {  	_ =	swait.ge [sflag:s22], $0x80  }
0x68: {  	[sflag:s22] =	ssyncset.done $0x0  }
0x69: {  	[sflag:s22] =	ssyncadd.s32 $0xFFFFFF80  }
0x6a: {  	[spmem:s2] =	stream.indirect.scatter.add.f32 [tilespmem:s23], [sflag:$0x5], $0x1, s3, s17, $0xb8;
	[tilespmem:$0x800] =	vst v63  }
0x6b: {  	_ =	swait.ge [sflag:s21], $0x80  }
0x6c: {  	p0 =	seq.s32 s31, $0x980;
	[sflag:s21] =	ssyncset.done $0x0  }
0x6d: {  	s1 =	simm.s32 @p0 $0x2;
	[sflag:s21] =	ssyncadd.s32 $0xFFFFFF80  }
0x6e: {  	_ =	swait.ge @p0 [sflag:s1], $0x80  }
0x6f: {  	[sflag:s1] =	ssyncset.done @p0 $0x0  }
0x70: {  	s0 =	simm.s32 @p0 $0x280;
	[sflag:s1] =	ssyncadd.s32 @p0 $0xFFFFFF80;
	s1 =	simm.s32 @p0 $0x80  }
0x71: {  	[spmem:s2] =	stream.indirect.scatter.add.f32 @p0 [tilespmem:s0], [sflag:$0x5], $0x1, s1, s1, $0xb8;
	[tilespmem:$0x800] =	vst v63  }
0x72: {  	s0 =	simm.s32 @p0 $0x5  }
0x73: {  	_ =	swait.ge @p0 [sflag:s0], $0x80  }
0x74: {  	s1 =	sshrl.u32 @!p0 s30, $0x3;
	[sflag:s0] =	ssyncset.done @p0 $0x0  }
0x75: {  	[sflag:s0] =	ssyncadd.s32 @p0 $0xFFFFFF80;
	s0 =	sadd.s32 @!p0 s4, s1;
	s1 =	simm.s32 @!p0 $0x0  }
0x76: {  	[tilespmem:s1], [sflag:$0x1] =	stream.linear.gather @!p0 [hbm4b:s0+s1], $0x80, $0x38;
	[tilespmem:$0x800] =	vst v63  }
0x77: {  	s0 =	simm.s32 @!p0 $0x2  }
0x78: {  	_ =	swait.ge @!p0 [sflag:s0], $0x80  }
0x79: {  	[sflag:s0] =	ssyncset.done @!p0 $0x0  }
0x7a: {  	s28 =	simm.s32 @!p0 $0x280;
	[sflag:s0] =	ssyncadd.s32 @!p0 $0xFFFFFF80;
	s0 =	simm.s32 @!p0 $0x80  }
0x7b: {  	[spmem:s2] =	stream.indirect.scatter.add.f32 @!p0 [tilespmem:s28], [sflag:$0x5], $0x1, s0, s0, $0xb8;
	[tilespmem:$0x800] =	vst v63  }
0x7c: {  	s28 =	simm.s32 @!p0 $0x5  }
0x7d: {  	_ =	swait.ge @!p0 [sflag:s28], $0x80  }
0x7e: {  	[sflag:s28] =	ssyncset.done @!p0 $0x0  }
0x7f: {  	[sflag:s28] =	ssyncadd.s32 @!p0 $0xFFFFFF80;
	s28 =	sadd.s32 @!p0 s31, s15  }
0x80: {  	[tilespmem:s0], [sflag:$0x2] =	stream.linear.gather @!p0 [hbm4b:s28+s1], $0x80, $0x38;
	[tilespmem:$0x800] =	vst v63  }
0x81: {  	_ =	swait.ge [sflag:s24], $0x80  }
0x82: {  	[sflag:s24] =	ssyncset.done $0x0  }
.Ltmp2:
0x83: {  	[sflag:s24] =	ssyncadd.s32 $0xFFFFFF80;
	(pc) =	sbr.rel @p0 .LBB2_4-.Ltmp2, $4  }
0x84: {  	[spmem:s2] =	stream.indirect.scatter.add.f32 [tilespmem:s23], [sflag:$0x5], $0x1, s18, s17, $0xb8;
	[tilespmem:$0x800] =	vst v63  }
0x85: {  	_ =	swait.ge [sflag:s21], $0x80  }
0x86: {  	[sflag:s21] =	ssyncset.done $0x0  }
0x87: {  	[sflag:s21] =	ssyncadd.s32 $0xFFFFFF80  }
0x88: {  	s0 =	sadd.s32 s31, s14  }
0x89: {  	[tilespmem:s18], [sflag:$0x3] =	stream.linear.gather [hbm4b:s0+s3], $0x80, $0x38;
	[tilespmem:$0x800] =	vst v63  }
0x8a: {  	_ =	swait.ge [sflag:s25], $0x80  }
0x8b: {  	[sflag:s25] =	ssyncset.done $0x0  }
0x8c: {  	[sflag:s25] =	ssyncadd.s32 $0xFFFFFF80  }
0x8d: {  	[spmem:s2] =	stream.indirect.scatter.add.f32 [tilespmem:s23], [sflag:$0x5], $0x1, s19, s17, $0xb8;
	[tilespmem:$0x800] =	vst v63  }
.Ltmp3:
0x8e: {  	_ = 	snop;
	(pc) =	sbr.rel .LBB2_2-.Ltmp3, $4  }
0x8f: {  	_ =	swait.ge [sflag:s21], $0x80  }
0x90: {  	s28 =	sadd.s32 s31, s13;
	[sflag:s21] =	ssyncset.done $0x0  }
0x91: {  	s31 =	sadd.s32 $0x40, s31;
	s30 =	sadd.s32 $0x200, s30;
	[sflag:s21] =	ssyncadd.s32 $0xFFFFFF80  }
0x92: {  	[tilespmem:s19], [sflag:$0x4] =	stream.linear.gather [hbm4b:s28+s3], $0x80, $0x38;
	[tilespmem:$0x800] =	vst v63  }
.LBB2_5:
0x93: {  	_ =	sfence.sel $0x180000  }
0x94: {  	[bflag:$0x0] =	sbarrier.arrive $0xFFFF  }
0x95: {  	_ =	strace $0x90000047  }
0x96: {  	s0 =	stileid.u32;
	[bflag:$0x2] =	sbarrier.arrive $0xFFFF  }
0x97: {  	p0 =	sne.s32 s0, $0x0;
	s0 =	rddreg [dreg:$0x3]  }
0x98: {  	s0 =	sadd.s32 @!p0 $0x100000, s0  }
0x99: {  	[sflag:s0] =	ssyncadd.tile.s32 @!p0 $0x1;
	_ =	shalt  }
.Lfunc_end2:
_tile_overlayer_lowered:
.L_overlay_start_2:
0x9a: {  	(tag) =	ssettag $0x2  }
0x9b: {  	s0 =	rddreg [dreg:$0x0];
	s2 =	stileid.u32  }
0x9c: {  	s1 =	rddreg [dreg:$0x1];
	p0 =	sne.s32 s2, $0x0  }
0x9d: {  	s3 =	rddreg [dreg:$0x2];
	[bflag:$0x3] =	sbarrier.arrive $0xFFFF;
	s2 =	simm.s32 @!p0 $0x1C05  }
0x9e: {  	[timem:s3], [sflag:s2] =	dma.local @!p0 [hbm:s0], s1  }
0x9f: {  	s0 =	simm.s32 @!p0 $0x5  }
0xa0: {  	_ =	swait.ge @!p0 [sflag:s0], s1  }
0xa1: {  	s1 =	ssub.s32 @!p0 $0x0, s1;
	[sflag:s0] =	ssyncset.done @!p0 $0x0  }
0xa2: {  	[sflag:s0] =	ssyncadd.s32 @!p0 s1  }
0xa3: {  	[bflag:$0x3] =	sbarrier.arrive $0xFFFF  }
0xa4: {  	_ =	shalt  }

</sc_bundles>
